<compile_context>
chip_gen: v7x
topology: tpu7x:2x2x1
jax: 0.10.2.dev20260603
libtpu: 0.0.44.dev20260713+nightly
codegen_flags: <defaults>
</compile_context>

<pallas_src>
import jax
import jax.numpy as jnp
from jax import lax
from jax.experimental import pallas as pl
from jax.experimental.pallas import tpu as pltpu
from jax.experimental.pallas import tpu_sc as plsc

N = 100000
DIM = 128
TABLE_ROWS = 4096
NC = 2
NS = 16
NW = NC * NS
L = 16

CHUNK = 128
N_FULL = N // CHUNK
TAIL = N - N_FULL * CHUNK
PER_W = N_FULL // NW
REM = N_FULL % NW

SCAN = (-(-N // NS) + L - 1) // L * L
SCAN_LAST = N - (NS - 1) * SCAN
assert SCAN % 16 == 0 and SCAN_LAST % 16 == 0 and SCAN_LAST > 0

NXB = 4
TROWS_PER_TILE = TABLE_ROWS // NS


def _body(x_hbm, batch_hbm, table_hbm, out_hbm,
          scanbuf, local64, iota64, zeros64, starts_v, shared64,
          shared_tab, bb0, bb1, ib0, ib1, xb0, xb1, xb2, xb3,
          sb0, sb1, sx0, sx1, sx2, sx3,
          sg0, sg1, sg2, sg3, ss0, ss1, ss2, ss3, st0):
    cid = lax.axis_index("c")
    sid = lax.axis_index("s")
    iota16 = lax.iota(jnp.int32, L)

    pltpu.async_copy(table_hbm.at[pl.ds(sid * TROWS_PER_TILE, TROWS_PER_TILE)],
                     shared_tab.at[pl.ds(sid * TROWS_PER_TILE, TROWS_PER_TILE)],
                     st0)

    for t in range(4):
        z = jnp.zeros((L,), jnp.int32)
        local64[pl.ds(L * t, L)] = z
        zeros64[pl.ds(L * t, L)] = z
        iota64[pl.ds(L * t, L)] = iota16 + L * t

    base = sid * SCAN

    @pl.when(sid == 0)
    def _():
        scanbuf[pl.ds(0, L)] = jnp.full((L,), -1, jnp.int32)
        pltpu.sync_copy(batch_hbm.at[pl.ds(0, SCAN)],
                        scanbuf.at[pl.ds(L, SCAN)])

    @pl.when(jnp.logical_and(sid > 0, sid < NS - 1))
    def _():
        pltpu.sync_copy(batch_hbm.at[pl.ds(base - L, SCAN + L)],
                        scanbuf.at[pl.ds(0, SCAN + L)])

    @pl.when(sid == NS - 1)
    def _():
        pltpu.sync_copy(batch_hbm.at[pl.ds(base - L, SCAN_LAST + L)],
                        scanbuf.at[pl.ds(0, SCAN_LAST + L)])

    trip = jnp.where(sid == NS - 1, SCAN_LAST // L, SCAN // L)

    def scan_step(j, carry):
        off = j * L
        vprev = scanbuf[pl.ds(off + L - 1, L)]
        vcur = scanbuf[pl.ds(off + L, L)]
        jump = vprev != vcur
        g = base + off + iota16
        plsc.store_scatter(local64, [vcur], g + 1, mask=jump)
        return carry

    lax.fori_loop(0, trip, scan_step, 0)

    @pl.when(sid == 0)
    def _():
        pltpu.sync_copy(zeros64, shared64)
    plsc.subcore_barrier()
    pltpu.sync_copy(local64, shared64.at[iota64], add=True)
    pltpu.make_async_copy(
        table_hbm.at[pl.ds(sid * TROWS_PER_TILE, TROWS_PER_TILE)],
        shared_tab.at[pl.ds(sid * TROWS_PER_TILE, TROWS_PER_TILE)],
        st0).wait()
    plsc.subcore_barrier()
    pltpu.sync_copy(shared64, starts_v)

    wid = sid * NC + cid
    nchunks = PER_W + jnp.where(wid < REM, 1, 0)
    SB = ((bb0, ib0, sb0), (bb1, ib1, sb1))
    XB = ((xb0, sx0, sg0, ss0), (xb1, sx1, sg1, ss1),
          (xb2, sx2, sg2, ss2), (xb3, sx3, sg3, ss3))

    def cbase(k):
        return (wid + k * NW) * CHUNK

    def issue_loads(k, S, X):
        bb, ib, sbm = S
        xb, sx, sg, ss = X
        pltpu.async_copy(batch_hbm.at[pl.ds(cbase(k), CHUNK)], bb, sbm)
        pltpu.async_copy(x_hbm.at[pl.ds(cbase(k), CHUNK)], xb, sx)

    def compute_idx(k, S):
        bb, ib, sbm = S
        pltpu.make_async_copy(batch_hbm.at[pl.ds(cbase(k), CHUNK)],
                              bb, sbm).wait()
        b0 = cbase(k)
        for j in range(CHUNK // L):
            vb = bb[pl.ds(L * j, L)]
            st = plsc.load_gather(starts_v, [vb])
            pos = b0 + L * j + iota16 - st + 1
            ib[pl.ds(L * j, L)] = jnp.minimum(pos, TABLE_ROWS - 1)

    def issue_gather_add(k, S, X):
        bb, ib, sbm = S
        xb, sx, sg, ss = X
        pltpu.make_async_copy(x_hbm.at[pl.ds(cbase(k), CHUNK)], xb, sx).wait()
        pltpu.async_copy(shared_tab.at[ib], xb, sg, add=True)

    def wait_gather(k, S, X):
        bb, ib, sbm = S
        xb, sx, sg, ss = X
        pltpu.make_async_copy(shared_tab.at[ib], xb, sg).wait()

    def issue_store(k, X):
        xb, sx, sg, ss = X
        pltpu.async_copy(xb, out_hbm.at[pl.ds(cbase(k), CHUNK)], ss)

    def wait_store(k, X):
        xb, sx, sg, ss = X
        pltpu.make_async_copy(xb, out_hbm.at[pl.ds(cbase(k), CHUNK)],
                              ss).wait()

    @pl.when(wid == NW - 1)
    def _():
        tb = N_FULL * CHUNK
        pltpu.sync_copy(batch_hbm.at[pl.ds(tb, TAIL)], bb0.at[pl.ds(0, TAIL)])
        pltpu.sync_copy(x_hbm.at[pl.ds(tb, TAIL)], xb0.at[pl.ds(0, TAIL)])
        for j in range(TAIL // L):
            vb = bb0[pl.ds(L * j, L)]
            st = plsc.load_gather(starts_v, [vb])
            pos = tb + L * j + iota16 - st + 1
            ib0[pl.ds(L * j, L)] = jnp.minimum(pos, TABLE_ROWS - 1)
        pltpu.async_copy(shared_tab.at[ib0.at[pl.ds(0, TAIL)]],
                         xb0.at[pl.ds(0, TAIL)], sg0, add=True).wait()
        pltpu.sync_copy(xb0.at[pl.ds(0, TAIL)], out_hbm.at[pl.ds(tb, TAIL)])

    n = nchunks

    issue_loads(0, SB[0], XB[0])
    issue_loads(1, SB[1], XB[1])
    compute_idx(0, SB[0])
    issue_gather_add(0, SB[0], XB[0])

    def iter_body(k, b2, b4):
        wait_gather(k, SB[b2], XB[b4])
        issue_store(k, XB[b4])

        @pl.when(k + 2 < n)
        def _():
            @pl.when(k >= 2)
            def _():
                wait_store(k - 2, XB[(b4 + 2) % NXB])
            issue_loads(k + 2, SB[b2], XB[(b4 + 2) % NXB])

        @pl.when(k + 1 < n)
        def _():
            compute_idx(k + 1, SB[1 - b2])
            issue_gather_add(k + 1, SB[1 - b2], XB[(b4 + 1) % NXB])

    def loop_body(k4, carry):
        for off in range(NXB):
            k = NXB * k4 + off

            @pl.when(k < n)
            def _():
                iter_body(k, off % 2, off)

        return carry

    lax.fori_loop(0, (PER_W + NXB) // NXB, loop_body, 0)

    @pl.when(wid < REM)
    def _():
        for k in range(PER_W - 3, PER_W + 1):
            wait_store(k, XB[k % NXB])

    @pl.when(wid >= REM)
    def _():
        for k in range(PER_W - 4, PER_W):
            wait_store(k, XB[k % NXB])


def kernel(x, batch, table):
    mesh = plsc.VectorSubcoreMesh(core_axis_name="c", subcore_axis_name="s")
    f = pl.kernel(
        _body,
        out_type=jax.ShapeDtypeStruct((N, DIM), jnp.float32),
        mesh=mesh,
        compiler_params=pltpu.CompilerParams(needs_layout_passes=False),
        scratch_types=[
            pltpu.VMEM((SCAN + L,), jnp.int32),
            pltpu.VMEM((64,), jnp.int32),
            pltpu.VMEM((64,), jnp.int32),
            pltpu.VMEM((64,), jnp.int32),
            pltpu.VMEM((64,), jnp.int32),
            pltpu.VMEM_SHARED((64,), jnp.int32),
            pltpu.VMEM_SHARED((TABLE_ROWS, DIM), jnp.float32),
            pltpu.VMEM((CHUNK,), jnp.int32),
            pltpu.VMEM((CHUNK,), jnp.int32),
            pltpu.VMEM((CHUNK,), jnp.int32),
            pltpu.VMEM((CHUNK,), jnp.int32),
            pltpu.VMEM((CHUNK, DIM), jnp.float32),
            pltpu.VMEM((CHUNK, DIM), jnp.float32),
            pltpu.VMEM((CHUNK, DIM), jnp.float32),
            pltpu.VMEM((CHUNK, DIM), jnp.float32),
            pltpu.SemaphoreType.DMA,
            pltpu.SemaphoreType.DMA,
            pltpu.SemaphoreType.DMA,
            pltpu.SemaphoreType.DMA,
            pltpu.SemaphoreType.DMA,
            pltpu.SemaphoreType.DMA,
            pltpu.SemaphoreType.DMA,
            pltpu.SemaphoreType.DMA,
            pltpu.SemaphoreType.DMA,
            pltpu.SemaphoreType.DMA,
            pltpu.SemaphoreType.DMA,
            pltpu.SemaphoreType.DMA,
            pltpu.SemaphoreType.DMA,
            pltpu.SemaphoreType.DMA,
            pltpu.SemaphoreType.DMA,
        ],
    )
    return f(x, batch.astype(jnp.int32), table)

# --- scband reference (transcript-rebuilt; emitter-appended) ---
"""Pipeline reference for scband-learneable-positional-encoding-4758823764112 (READ-ONLY COPY).

The authoritative reference and input builder live on the scoring server;
editing this copy changes nothing except your own understanding.
"""

import jax, jax.numpy as jnp
import numpy as np

N = 100000
DIM = 128
MAX_NODES = 4096
NUM_SEGMENTS = 64


def setup_inputs(seed: int = 0) -> dict:
    key = jax.random.key(seed)
    k1, k2, k3 = jax.random.split(key, 3)
    x = jax.random.normal(k1, (N, DIM), dtype=jnp.float32)
    batch = jnp.sort(jax.random.randint(k2, (N,), 0, NUM_SEGMENTS, dtype=jnp.int32))
    # learned positional embedding table, nn.Embedding(max_nodes, dim)
    table = jax.random.normal(k3, (MAX_NODES, DIM), dtype=jnp.float32) * 0.02
    return {"x": x, "batch": batch, "table": table}


def reference(x, batch, table):
    # Original torch loop assigns, for each graph id i in batch, positions
    # 0..count_i-1 in index order within that graph. Since `batch` is sorted
    # (standard PyG convention), this equals global index minus the segment's
    # first-occurrence index.
    n = x.shape[0]
    starts = jnp.searchsorted(batch, jnp.arange(NUM_SEGMENTS, dtype=batch.dtype))
    positions = jnp.arange(n, dtype=batch.dtype) - jnp.take(starts, batch)
    pos_embeddings = jnp.take(table, positions, axis=0)
    return x + pos_embeddings


if False:  # reference __main__ guard neutralized (emitter)
    out = reference(**setup_inputs())
    print(out.shape, out.dtype)

if __name__ == "__main__":
    import jax
    _d = setup_inputs()
    print(jax.jit(kernel)(*tuple(_d.values())))

</pallas_src>

<mosaic_0001>
#map = affine_map<(d0, d1) -> (0, 0)>
#map1 = affine_map<(d0, d1) -> (0)>
module attributes {stable_mosaic.version = 14 : i64} {
  func.func @_body(%arg0: i32, %arg1: i32, %arg2: memref<100000x128xf32, #tpu.memory_space<hbm>>, %arg3: memref<100000xi32, #tpu.memory_space<hbm>>, %arg4: memref<4096x128xf32, #tpu.memory_space<hbm>>, %arg5: memref<100000x128xf32, #tpu.memory_space<hbm>>, %arg6: memref<6272xi32, #tpu.memory_space<vmem>>, %arg7: memref<64xi32, #tpu.memory_space<vmem>>, %arg8: memref<64xi32, #tpu.memory_space<vmem>>, %arg9: memref<64xi32, #tpu.memory_space<vmem>>, %arg10: memref<64xi32, #tpu.memory_space<vmem>>, %arg11: memref<64xi32, #tpu.memory_space<vmem_shared>>, %arg12: memref<4096x128xf32, #tpu.memory_space<vmem_shared>>, %arg13: memref<128xi32, #tpu.memory_space<vmem>>, %arg14: memref<128xi32, #tpu.memory_space<vmem>>, %arg15: memref<128xi32, #tpu.memory_space<vmem>>, %arg16: memref<128xi32, #tpu.memory_space<vmem>>, %arg17: memref<128x128xf32, #tpu.memory_space<vmem>>, %arg18: memref<128x128xf32, #tpu.memory_space<vmem>>, %arg19: memref<128x128xf32, #tpu.memory_space<vmem>>, %arg20: memref<128x128xf32, #tpu.memory_space<vmem>>, %arg21: memref<!tpu.dma_semaphore, #tpu.memory_space<semaphore_mem>>, %arg22: memref<!tpu.dma_semaphore, #tpu.memory_space<semaphore_mem>>, %arg23: memref<!tpu.dma_semaphore, #tpu.memory_space<semaphore_mem>>, %arg24: memref<!tpu.dma_semaphore, #tpu.memory_space<semaphore_mem>>, %arg25: memref<!tpu.dma_semaphore, #tpu.memory_space<semaphore_mem>>, %arg26: memref<!tpu.dma_semaphore, #tpu.memory_space<semaphore_mem>>, %arg27: memref<!tpu.dma_semaphore, #tpu.memory_space<semaphore_mem>>, %arg28: memref<!tpu.dma_semaphore, #tpu.memory_space<semaphore_mem>>, %arg29: memref<!tpu.dma_semaphore, #tpu.memory_space<semaphore_mem>>, %arg30: memref<!tpu.dma_semaphore, #tpu.memory_space<semaphore_mem>>, %arg31: memref<!tpu.dma_semaphore, #tpu.memory_space<semaphore_mem>>, %arg32: memref<!tpu.dma_semaphore, #tpu.memory_space<semaphore_mem>>, %arg33: memref<!tpu.dma_semaphore, #tpu.memory_space<semaphore_mem>>, %arg34: memref<!tpu.dma_semaphore, #tpu.memory_space<semaphore_mem>>, %arg35: memref<!tpu.dma_semaphore, #tpu.memory_space<semaphore_mem>>) attributes {dimension_semantics = [#tpu.dimension_semantics<core_parallel>, #tpu.dimension_semantics<subcore_parallel>], iteration_bounds = array<i64: 2, 16>, scalar_prefetch = 0 : i64, scratch_operands = 30 : i64, tpu.core_type = #tpu.core_type<sc_vector_subcore>, window_params = [{transform_indices = #map}, {transform_indices = #map1}, {transform_indices = #map}, {transform_indices = #map}]} {
    %iota3A = tpu.iota {dimensions = array<i32: 0>} : vector<16xi32>
    %mul3A = arith.constant 256 : i32
    %mul3A_0 = arith.muli %arg1, %mul3A : i32
    %mul3A_1 = arith.constant 256 : i32
    %mul3A_2 = arith.muli %arg1, %mul3A_1 : i32
    %dma_start3A = arith.constant 0 : i32
    %dma_start3A_3 = tpu.memref_slice %arg12[%mul3A_2, %dma_start3A] : memref<4096x128xf32, #tpu.memory_space<vmem_shared>> -> memref<256x128xf32, #tpu.memory_space<vmem_shared>>
    %dma_start3A_4 = arith.constant 0 : i32
    %dma_start3A_5 = tpu.memref_slice %arg4[%mul3A_0, %dma_start3A_4] : memref<4096x128xf32, #tpu.memory_space<hbm>> -> memref<256x128xf32, #tpu.memory_space<hbm>>
    tpu.enqueue_dma source(%dma_start3A_5 : memref<256x128xf32, #tpu.memory_space<hbm>>) target(%dma_start3A_3 : memref<256x128xf32, #tpu.memory_space<vmem_shared>>) target_semaphore(%arg35 : memref<!tpu.dma_semaphore, #tpu.memory_space<semaphore_mem>>)
    %broadcast_in_dim3A = arith.constant 0 : i32
    %broadcast_in_dim3A_6 = vector.broadcast %broadcast_in_dim3A : i32 to vector<16xi32>
    %swap3A = arith.constant 0 : index
    %swap3A_7 = tpu.vector_load %arg7[%swap3A] {strides = array<i32>} : memref<64xi32, #tpu.memory_space<vmem>>, vector<16xi32>,
    tpu.vector_store %arg7[%swap3A], %broadcast_in_dim3A_6 {strides = array<i32>} : memref<64xi32, #tpu.memory_space<vmem>>, vector<16xi32>,
    %swap3A_8 = arith.constant 0 : index
    %swap3A_9 = tpu.vector_load %arg9[%swap3A_8] {strides = array<i32>} : memref<64xi32, #tpu.memory_space<vmem>>, vector<16xi32>,
    tpu.vector_store %arg9[%swap3A_8], %broadcast_in_dim3A_6 {strides = array<i32>} : memref<64xi32, #tpu.memory_space<vmem>>, vector<16xi32>,
    %add3A = arith.constant 0 : i32
    %add3A_10 = vector.broadcast %add3A : i32 to vector<16xi32>
    %add3A_11 = arith.addi %iota3A, %add3A_10 : vector<16xi32>
    %swap3A_12 = arith.constant 0 : index
    %swap3A_13 = tpu.vector_load %arg8[%swap3A_12] {strides = array<i32>} : memref<64xi32, #tpu.memory_space<vmem>>, vector<16xi32>,
    tpu.vector_store %arg8[%swap3A_12], %add3A_11 {strides = array<i32>} : memref<64xi32, #tpu.memory_space<vmem>>, vector<16xi32>,
    %broadcast_in_dim3A_14 = arith.constant 0 : i32
    %broadcast_in_dim3A_15 = vector.broadcast %broadcast_in_dim3A_14 : i32 to vector<16xi32>
    %swap3A_16 = arith.constant 16 : index
    %swap3A_17 = tpu.vector_load %arg7[%swap3A_16] {strides = array<i32>} : memref<64xi32, #tpu.memory_space<vmem>>, vector<16xi32>,
    tpu.vector_store %arg7[%swap3A_16], %broadcast_in_dim3A_15 {strides = array<i32>} : memref<64xi32, #tpu.memory_space<vmem>>, vector<16xi32>,
    %swap3A_18 = arith.constant 16 : index
    %swap3A_19 = tpu.vector_load %arg9[%swap3A_18] {strides = array<i32>} : memref<64xi32, #tpu.memory_space<vmem>>, vector<16xi32>,
    tpu.vector_store %arg9[%swap3A_18], %broadcast_in_dim3A_15 {strides = array<i32>} : memref<64xi32, #tpu.memory_space<vmem>>, vector<16xi32>,
    %add3A_20 = arith.constant 16 : i32
    %add3A_21 = vector.broadcast %add3A_20 : i32 to vector<16xi32>
    %add3A_22 = arith.addi %iota3A, %add3A_21 : vector<16xi32>
    %swap3A_23 = arith.constant 16 : index
    %swap3A_24 = tpu.vector_load %arg8[%swap3A_23] {strides = array<i32>} : memref<64xi32, #tpu.memory_space<vmem>>, vector<16xi32>,
    tpu.vector_store %arg8[%swap3A_23], %add3A_22 {strides = array<i32>} : memref<64xi32, #tpu.memory_space<vmem>>, vector<16xi32>,
    %broadcast_in_dim3A_25 = arith.constant 0 : i32
    %broadcast_in_dim3A_26 = vector.broadcast %broadcast_in_dim3A_25 : i32 to vector<16xi32>
    %swap3A_27 = arith.constant 32 : index
    %swap3A_28 = tpu.vector_load %arg7[%swap3A_27] {strides = array<i32>} : memref<64xi32, #tpu.memory_space<vmem>>, vector<16xi32>,
    tpu.vector_store %arg7[%swap3A_27], %broadcast_in_dim3A_26 {strides = array<i32>} : memref<64xi32, #tpu.memory_space<vmem>>, vector<16xi32>,
    %swap3A_29 = arith.constant 32 : index
    %swap3A_30 = tpu.vector_load %arg9[%swap3A_29] {strides = array<i32>} : memref<64xi32, #tpu.memory_space<vmem>>, vector<16xi32>,
    tpu.vector_store %arg9[%swap3A_29], %broadcast_in_dim3A_26 {strides = array<i32>} : memref<64xi32, #tpu.memory_space<vmem>>, vector<16xi32>,
    %add3A_31 = arith.constant 32 : i32
    %add3A_32 = vector.broadcast %add3A_31 : i32 to vector<16xi32>
    %add3A_33 = arith.addi %iota3A, %add3A_32 : vector<16xi32>
    %swap3A_34 = arith.constant 32 : index
    %swap3A_35 = tpu.vector_load %arg8[%swap3A_34] {strides = array<i32>} : memref<64xi32, #tpu.memory_space<vmem>>, vector<16xi32>,
    tpu.vector_store %arg8[%swap3A_34], %add3A_33 {strides = array<i32>} : memref<64xi32, #tpu.memory_space<vmem>>, vector<16xi32>,
    %broadcast_in_dim3A_36 = arith.constant 0 : i32
    %broadcast_in_dim3A_37 = vector.broadcast %broadcast_in_dim3A_36 : i32 to vector<16xi32>
    %swap3A_38 = arith.constant 48 : index
    %swap3A_39 = tpu.vector_load %arg7[%swap3A_38] {strides = array<i32>} : memref<64xi32, #tpu.memory_space<vmem>>, vector<16xi32>,
    tpu.vector_store %arg7[%swap3A_38], %broadcast_in_dim3A_37 {strides = array<i32>} : memref<64xi32, #tpu.memory_space<vmem>>, vector<16xi32>,
    %swap3A_40 = arith.constant 48 : index
    %swap3A_41 = tpu.vector_load %arg9[%swap3A_40] {strides = array<i32>} : memref<64xi32, #tpu.memory_space<vmem>>, vector<16xi32>,
    tpu.vector_store %arg9[%swap3A_40], %broadcast_in_dim3A_37 {strides = array<i32>} : memref<64xi32, #tpu.memory_space<vmem>>, vector<16xi32>,
    %add3A_42 = arith.constant 48 : i32
    %add3A_43 = vector.broadcast %add3A_42 : i32 to vector<16xi32>
    %add3A_44 = arith.addi %iota3A, %add3A_43 : vector<16xi32>
    %swap3A_45 = arith.constant 48 : index
    %swap3A_46 = tpu.vector_load %arg8[%swap3A_45] {strides = array<i32>} : memref<64xi32, #tpu.memory_space<vmem>>, vector<16xi32>,
    tpu.vector_store %arg8[%swap3A_45], %add3A_44 {strides = array<i32>} : memref<64xi32, #tpu.memory_space<vmem>>, vector<16xi32>,
    %mul3A_47 = arith.constant 6256 : i32
    %mul3A_48 = arith.muli %arg1, %mul3A_47 : i32
    %eq3A = arith.constant 0 : i32
    %eq3A_49 = arith.cmpi eq, %arg1, %eq3A : i32
    %convert_element_type3A = arith.extui %eq3A_49 : i1 to i32
    %cond3A = arith.constant 0 : i32
    %cond3A_50 = arith.cmpi ne, %convert_element_type3A, %cond3A : i32
    scf.if %cond3A_50 {
      %broadcast_in_dim3A_288 = arith.constant -1 : i32
      %broadcast_in_dim3A_289 = vector.broadcast %broadcast_in_dim3A_288 : i32 to vector<16xi32>
      %swap3A_290 = arith.constant 0 : index
      %swap3A_291 = tpu.vector_load %arg6[%swap3A_290] {strides = array<i32>} : memref<6272xi32, #tpu.memory_space<vmem>>, vector<16xi32>,
      tpu.vector_store %arg6[%swap3A_290], %broadcast_in_dim3A_289 {strides = array<i32>} : memref<6272xi32, #tpu.memory_space<vmem>>, vector<16xi32>,
      "tpu.region"() ({
        %run_scoped3A = tpu.sem_alloc : memref<!tpu.dma_semaphore, #tpu.memory_space<semaphore_mem>>
        %dma_start3A_292 = arith.constant 16 : i32
        %dma_start3A_293 = tpu.memref_slice %arg6[%dma_start3A_292] : memref<6272xi32, #tpu.memory_space<vmem>> -> memref<6256xi32, #tpu.memory_space<vmem>>
        %dma_start3A_294 = arith.constant 0 : i32
        %dma_start3A_295 = tpu.memref_slice %arg3[%dma_start3A_294] : memref<100000xi32, #tpu.memory_space<hbm>> -> memref<6256xi32, #tpu.memory_space<hbm>>
        %dma_start3A_296 = arith.constant 16 : i32
        %dma_start3A_297 = tpu.memref_slice %arg6[%dma_start3A_296] : memref<6272xi32, #tpu.memory_space<vmem>> -> memref<6256xi32, #tpu.memory_space<vmem>>
        %dma_start3A_298 = arith.constant 0 : i32
        %dma_start3A_299 = tpu.memref_slice %arg3[%dma_start3A_298] : memref<100000xi32, #tpu.memory_space<hbm>> -> memref<6256xi32, #tpu.memory_space<hbm>>
        tpu.enqueue_dma source(%dma_start3A_299 : memref<6256xi32, #tpu.memory_space<hbm>>) target(%dma_start3A_297 : memref<6256xi32, #tpu.memory_space<vmem>>) target_semaphore(%run_scoped3A : memref<!tpu.dma_semaphore, #tpu.memory_space<semaphore_mem>>)
        %dma_wait3A_300 = arith.constant 16 : i32
        %dma_wait3A_301 = tpu.memref_slice %arg6[%dma_wait3A_300] : memref<6272xi32, #tpu.memory_space<vmem>> -> memref<6256xi32, #tpu.memory_space<vmem>>
        %dma_wait3A_302 = arith.constant 0 : i32
        %dma_wait3A_303 = tpu.memref_slice %arg3[%dma_wait3A_302] : memref<100000xi32, #tpu.memory_space<hbm>> -> memref<6256xi32, #tpu.memory_space<hbm>>
        %dma_wait3A_304 = arith.constant 16 : i32
        %dma_wait3A_305 = tpu.memref_slice %arg6[%dma_wait3A_304] : memref<6272xi32, #tpu.memory_space<vmem>> -> memref<6256xi32, #tpu.memory_space<vmem>>
        %dma_wait3A_306 = arith.constant 0 : i32
        %dma_wait3A_307 = tpu.memref_slice %arg3[%dma_wait3A_306] : memref<100000xi32, #tpu.memory_space<hbm>> -> memref<6256xi32, #tpu.memory_space<hbm>>
        tpu.wait_dma2 semaphore(%run_scoped3A : memref<!tpu.dma_semaphore, #tpu.memory_space<semaphore_mem>>) src(%dma_wait3A_307 : memref<6256xi32, #tpu.memory_space<hbm>>) dst(%dma_wait3A_305 : memref<6256xi32, #tpu.memory_space<vmem>>)
        tpu.yield
      }) : () -> ()
    } else {
    }
    %gt3A = arith.constant 0 : i32
    %gt3A_51 = arith.cmpi sgt, %arg1, %gt3A : i32
    %lt3A = arith.constant 15 : i32
    %lt3A_52 = arith.cmpi slt, %arg1, %lt3A : i32
    %and3A = arith.andi %gt3A_51, %lt3A_52 : i1
    %convert_element_type3A_53 = arith.extui %and3A : i1 to i32
    %cond3A_54 = arith.constant 0 : i32
    %cond3A_55 = arith.cmpi ne, %convert_element_type3A_53, %cond3A_54 : i32
    scf.if %cond3A_55 {
      %sub3A_288 = arith.constant 16 : i32
      %sub3A_289 = arith.subi %mul3A_48, %sub3A_288 : i32
      "tpu.region"() ({
        %run_scoped3A = tpu.sem_alloc : memref<!tpu.dma_semaphore, #tpu.memory_space<semaphore_mem>>
        %dma_start3A_290 = arith.constant 0 : i32
        %dma_start3A_291 = tpu.memref_slice %arg6[%dma_start3A_290] : memref<6272xi32, #tpu.memory_space<vmem>> -> memref<6272xi32, #tpu.memory_space<vmem>>
        %dma_start3A_292 = tpu.memref_slice %arg3[%sub3A_289] : memref<100000xi32, #tpu.memory_space<hbm>> -> memref<6272xi32, #tpu.memory_space<hbm>>
        %dma_start3A_293 = arith.constant 0 : i32
        %dma_start3A_294 = tpu.memref_slice %arg6[%dma_start3A_293] : memref<6272xi32, #tpu.memory_space<vmem>> -> memref<6272xi32, #tpu.memory_space<vmem>>
        %dma_start3A_295 = tpu.memref_slice %arg3[%sub3A_289] : memref<100000xi32, #tpu.memory_space<hbm>> -> memref<6272xi32, #tpu.memory_space<hbm>>
        tpu.enqueue_dma source(%dma_start3A_295 : memref<6272xi32, #tpu.memory_space<hbm>>) target(%dma_start3A_294 : memref<6272xi32, #tpu.memory_space<vmem>>) target_semaphore(%run_scoped3A : memref<!tpu.dma_semaphore, #tpu.memory_space<semaphore_mem>>)
        %dma_wait3A_296 = arith.constant 0 : i32
        %dma_wait3A_297 = tpu.memref_slice %arg6[%dma_wait3A_296] : memref<6272xi32, #tpu.memory_space<vmem>> -> memref<6272xi32, #tpu.memory_space<vmem>>
        %dma_wait3A_298 = tpu.memref_slice %arg3[%sub3A_289] : memref<100000xi32, #tpu.memory_space<hbm>> -> memref<6272xi32, #tpu.memory_space<hbm>>
        %dma_wait3A_299 = arith.constant 0 : i32
        %dma_wait3A_300 = tpu.memref_slice %arg6[%dma_wait3A_299] : memref<6272xi32, #tpu.memory_space<vmem>> -> memref<6272xi32, #tpu.memory_space<vmem>>
        %dma_wait3A_301 = tpu.memref_slice %arg3[%sub3A_289] : memref<100000xi32, #tpu.memory_space<hbm>> -> memref<6272xi32, #tpu.memory_space<hbm>>
        tpu.wait_dma2 semaphore(%run_scoped3A : memref<!tpu.dma_semaphore, #tpu.memory_space<semaphore_mem>>) src(%dma_wait3A_301 : memref<6272xi32, #tpu.memory_space<hbm>>) dst(%dma_wait3A_300 : memref<6272xi32, #tpu.memory_space<vmem>>)
        tpu.yield
      }) : () -> ()
    } else {
    }
    %eq3A_56 = arith.constant 15 : i32
    %eq3A_57 = arith.cmpi eq, %arg1, %eq3A_56 : i32
    %convert_element_type3A_58 = arith.extui %eq3A_57 : i1 to i32
    %cond3A_59 = arith.constant 0 : i32
    %cond3A_60 = arith.cmpi ne, %convert_element_type3A_58, %cond3A_59 : i32
    scf.if %cond3A_60 {
      %sub3A_288 = arith.constant 16 : i32
      %sub3A_289 = arith.subi %mul3A_48, %sub3A_288 : i32
      "tpu.region"() ({
        %run_scoped3A = tpu.sem_alloc : memref<!tpu.dma_semaphore, #tpu.memory_space<semaphore_mem>>
        %dma_start3A_290 = arith.constant 0 : i32
        %dma_start3A_291 = tpu.memref_slice %arg6[%dma_start3A_290] : memref<6272xi32, #tpu.memory_space<vmem>> -> memref<6176xi32, #tpu.memory_space<vmem>>
        %dma_start3A_292 = tpu.memref_slice %arg3[%sub3A_289] : memref<100000xi32, #tpu.memory_space<hbm>> -> memref<6176xi32, #tpu.memory_space<hbm>>
        %dma_start3A_293 = arith.constant 0 : i32
        %dma_start3A_294 = tpu.memref_slice %arg6[%dma_start3A_293] : memref<6272xi32, #tpu.memory_space<vmem>> -> memref<6176xi32, #tpu.memory_space<vmem>>
        %dma_start3A_295 = tpu.memref_slice %arg3[%sub3A_289] : memref<100000xi32, #tpu.memory_space<hbm>> -> memref<6176xi32, #tpu.memory_space<hbm>>
        tpu.enqueue_dma source(%dma_start3A_295 : memref<6176xi32, #tpu.memory_space<hbm>>) target(%dma_start3A_294 : memref<6176xi32, #tpu.memory_space<vmem>>) target_semaphore(%run_scoped3A : memref<!tpu.dma_semaphore, #tpu.memory_space<semaphore_mem>>)
        %dma_wait3A_296 = arith.constant 0 : i32
        %dma_wait3A_297 = tpu.memref_slice %arg6[%dma_wait3A_296] : memref<6272xi32, #tpu.memory_space<vmem>> -> memref<6176xi32, #tpu.memory_space<vmem>>
        %dma_wait3A_298 = tpu.memref_slice %arg3[%sub3A_289] : memref<100000xi32, #tpu.memory_space<hbm>> -> memref<6176xi32, #tpu.memory_space<hbm>>
        %dma_wait3A_299 = arith.constant 0 : i32
        %dma_wait3A_300 = tpu.memref_slice %arg6[%dma_wait3A_299] : memref<6272xi32, #tpu.memory_space<vmem>> -> memref<6176xi32, #tpu.memory_space<vmem>>
        %dma_wait3A_301 = tpu.memref_slice %arg3[%sub3A_289] : memref<100000xi32, #tpu.memory_space<hbm>> -> memref<6176xi32, #tpu.memory_space<hbm>>
        tpu.wait_dma2 semaphore(%run_scoped3A : memref<!tpu.dma_semaphore, #tpu.memory_space<semaphore_mem>>) src(%dma_wait3A_301 : memref<6176xi32, #tpu.memory_space<hbm>>) dst(%dma_wait3A_300 : memref<6176xi32, #tpu.memory_space<vmem>>)
        tpu.yield
      }) : () -> ()
    } else {
    }
    %eq3A_61 = arith.constant 15 : i32
    %eq3A_62 = arith.cmpi eq, %arg1, %eq3A_61 : i32
    %jit3A = arith.constant 385 : i32
    %jit3A_63 = arith.constant 391 : i32
    %select_n3A = arith.select %eq3A_62, %jit3A, %jit3A_63 : i32
    %while3A = arith.constant 0 : i32
    %while3A_64 = arith.constant 0 : i32
    %while3A_65 = arith.subi %select_n3A, %while3A_64 : i32
    %while3A_66 = arith.addi %while3A_64, %while3A_65 : i32
    %while3A_67 = arith.constant 1 : i32
    %while3A_68 = arith.divsi %while3A_65, %while3A_67 : i32
    %while3A_69 = arith.muli %while3A_68, %while3A_67 : i32
    %while3A_70 = arith.addi %while3A_64, %while3A_69 : i32
    %while3A_71 = arith.constant 1 : i32
    scf.for %while3A_288 = %while3A_64 to %while3A_70 step %while3A_71  : i32 {
      %mul3A_289 = arith.constant 16 : i32
      %mul3A_290 = arith.muli %while3A_288, %mul3A_289 : i32
      %add3A_291 = arith.constant 16 : i32
      %add3A_292 = arith.addi %mul3A_290, %add3A_291 : i32
      %sub3A_293 = arith.constant 1 : i32
      %sub3A_294 = arith.subi %add3A_292, %sub3A_293 : i32
      %get3A_295 = arith.index_cast %sub3A_294 : i32 to index
      %get3A_296 = tpu.vector_load %arg6[%get3A_295] {strides = array<i32>} : memref<6272xi32, #tpu.memory_space<vmem>>, vector<16xi32>,
      %add3A_297 = arith.constant 16 : i32
      %add3A_298 = arith.addi %mul3A_290, %add3A_297 : i32
      %get3A_299 = arith.index_cast %add3A_298 : i32 to index
      %get3A_300 = tpu.vector_load %arg6[%get3A_299] {strides = array<i32>} : memref<6272xi32, #tpu.memory_space<vmem>>, vector<16xi32>,
      %ne3A = arith.cmpi ne, %get3A_296, %get3A_300 : vector<16xi32>
      %add3A_301 = arith.addi %mul3A_48, %mul3A_290 : i32
      %add3A_302 = vector.broadcast %add3A_301 : i32 to vector<16xi32>
      %add3A_303 = arith.addi %add3A_302, %iota3A : vector<16xi32>
      %add3A_304 = arith.constant 1 : i32
      %add3A_305 = vector.broadcast %add3A_304 : i32 to vector<16xi32>
      %add3A_306 = arith.addi %add3A_303, %add3A_305 : vector<16xi32>
      tpu.vector_store_idx %arg7[%get3A_300], %add3A_306 masked %ne3A : memref<64xi32, #tpu.memory_space<vmem>>[vector<16xi32>], vector<16xi32>, vector<16xi1>
    }
    %while3A_72 = arith.constant 1 : i32
    scf.for %while3A_288 = %while3A_70 to %while3A_66 step %while3A_72  : i32 {
      %mul3A_289 = arith.constant 16 : i32
      %mul3A_290 = arith.muli %while3A_288, %mul3A_289 : i32
      %add3A_291 = arith.constant 16 : i32
      %add3A_292 = arith.addi %mul3A_290, %add3A_291 : i32
      %sub3A_293 = arith.constant 1 : i32
      %sub3A_294 = arith.subi %add3A_292, %sub3A_293 : i32
      %get3A_295 = arith.index_cast %sub3A_294 : i32 to index
      %get3A_296 = tpu.vector_load %arg6[%get3A_295] {strides = array<i32>} : memref<6272xi32, #tpu.memory_space<vmem>>, vector<16xi32>,
      %add3A_297 = arith.constant 16 : i32
      %add3A_298 = arith.addi %mul3A_290, %add3A_297 : i32
      %get3A_299 = arith.index_cast %add3A_298 : i32 to index
      %get3A_300 = tpu.vector_load %arg6[%get3A_299] {strides = array<i32>} : memref<6272xi32, #tpu.memory_space<vmem>>, vector<16xi32>,
      %ne3A = arith.cmpi ne, %get3A_296, %get3A_300 : vector<16xi32>
      %add3A_301 = arith.addi %mul3A_48, %mul3A_290 : i32
      %add3A_302 = vector.broadcast %add3A_301 : i32 to vector<16xi32>
      %add3A_303 = arith.addi %add3A_302, %iota3A : vector<16xi32>
      %add3A_304 = arith.constant 1 : i32
      %add3A_305 = vector.broadcast %add3A_304 : i32 to vector<16xi32>
      %add3A_306 = arith.addi %add3A_303, %add3A_305 : vector<16xi32>
      tpu.vector_store_idx %arg7[%get3A_300], %add3A_306 masked %ne3A : memref<64xi32, #tpu.memory_space<vmem>>[vector<16xi32>], vector<16xi32>, vector<16xi1>
    }
    %eq3A_73 = arith.constant 0 : i32
    %eq3A_74 = arith.cmpi eq, %arg1, %eq3A_73 : i32
    %convert_element_type3A_75 = arith.extui %eq3A_74 : i1 to i32
    %cond3A_76 = arith.constant 0 : i32
    %cond3A_77 = arith.cmpi ne, %convert_element_type3A_75, %cond3A_76 : i32
    scf.if %cond3A_77 {
      "tpu.region"() ({
        %run_scoped3A = tpu.sem_alloc : memref<!tpu.dma_semaphore, #tpu.memory_space<semaphore_mem>>
        tpu.enqueue_dma source(%arg9 : memref<64xi32, #tpu.memory_space<vmem>>) target(%arg11 : memref<64xi32, #tpu.memory_space<vmem_shared>>) target_semaphore(%run_scoped3A : memref<!tpu.dma_semaphore, #tpu.memory_space<semaphore_mem>>)
        tpu.wait_dma2 semaphore(%run_scoped3A : memref<!tpu.dma_semaphore, #tpu.memory_space<semaphore_mem>>) src(%arg9 : memref<64xi32, #tpu.memory_space<vmem>>) dst(%arg11 : memref<64xi32, #tpu.memory_space<vmem_shared>>)
        tpu.yield
      }) : () -> ()
    } else {
    }
    %barrier3A = arith.constant 0 : index
    tpu.barrier barrier_id(%barrier3A)
    "tpu.region"() ({
      %run_scoped3A = tpu.sem_alloc : memref<!tpu.dma_semaphore, #tpu.memory_space<semaphore_mem>>
      %dma_start3A_288 = arith.constant 0 : i32
      %dma_start3A_289 = tpu.memref_slice %arg11[%dma_start3A_288] : memref<64xi32, #tpu.memory_space<vmem_shared>> -> memref<64xi32, #tpu.memory_space<vmem_shared>>
      tpu.enqueue_indirect_dma source(%arg7 : memref<64xi32, #tpu.memory_space<vmem>>) target(%dma_start3A_289 : memref<64xi32, #tpu.memory_space<vmem_shared>>) offsets(%arg8 : memref<64xi32, #tpu.memory_space<vmem>>) semaphore(%run_scoped3A : memref<!tpu.dma_semaphore, #tpu.memory_space<semaphore_mem>>) {add = true}
      %dma_wait3A_290 = arith.constant 0 : i32
      %dma_wait3A_291 = tpu.memref_slice %arg11[%dma_wait3A_290] : memref<64xi32, #tpu.memory_space<vmem_shared>> -> memref<64xi32, #tpu.memory_space<vmem_shared>>
      tpu.wait_indirect_dma semaphore(%run_scoped3A : memref<!tpu.dma_semaphore, #tpu.memory_space<semaphore_mem>>) src(%arg7 : memref<64xi32, #tpu.memory_space<vmem>>) dst(%dma_wait3A_291 : memref<64xi32, #tpu.memory_space<vmem_shared>>)
      tpu.yield
    }) : () -> ()
    %mul3A_78 = arith.constant 256 : i32
    %mul3A_79 = arith.muli %arg1, %mul3A_78 : i32
    %mul3A_80 = arith.constant 256 : i32
    %mul3A_81 = arith.muli %arg1, %mul3A_80 : i32
    %dma_wait3A = arith.constant 0 : i32
    %dma_wait3A_82 = tpu.memref_slice %arg12[%mul3A_81, %dma_wait3A] : memref<4096x128xf32, #tpu.memory_space<vmem_shared>> -> memref<256x128xf32, #tpu.memory_space<vmem_shared>>
    %dma_wait3A_83 = arith.constant 0 : i32
    %dma_wait3A_84 = tpu.memref_slice %arg4[%mul3A_79, %dma_wait3A_83] : memref<4096x128xf32, #tpu.memory_space<hbm>> -> memref<256x128xf32, #tpu.memory_space<hbm>>
    tpu.wait_dma2 semaphore(%arg35 : memref<!tpu.dma_semaphore, #tpu.memory_space<semaphore_mem>>) src(%dma_wait3A_84 : memref<256x128xf32, #tpu.memory_space<hbm>>) dst(%dma_wait3A_82 : memref<256x128xf32, #tpu.memory_space<vmem_shared>>)
    %barrier3A_85 = arith.constant 0 : index
    tpu.barrier barrier_id(%barrier3A_85)
    "tpu.region"() ({
      %run_scoped3A = tpu.sem_alloc : memref<!tpu.dma_semaphore, #tpu.memory_space<semaphore_mem>>
      tpu.enqueue_dma source(%arg11 : memref<64xi32, #tpu.memory_space<vmem_shared>>) target(%arg10 : memref<64xi32, #tpu.memory_space<vmem>>) target_semaphore(%run_scoped3A : memref<!tpu.dma_semaphore, #tpu.memory_space<semaphore_mem>>)
      tpu.wait_dma2 semaphore(%run_scoped3A : memref<!tpu.dma_semaphore, #tpu.memory_space<semaphore_mem>>) src(%arg11 : memref<64xi32, #tpu.memory_space<vmem_shared>>) dst(%arg10 : memref<64xi32, #tpu.memory_space<vmem>>)
      tpu.yield
    }) : () -> ()
    %mul3A_86 = arith.constant 2 : i32
    %mul3A_87 = arith.muli %arg1, %mul3A_86 : i32
    %add3A_88 = arith.addi %mul3A_87, %arg0 : i32
    %lt3A_89 = arith.constant 13 : i32
    %lt3A_90 = arith.cmpi slt, %add3A_88, %lt3A_89 : i32
    %jit3A_91 = arith.constant 1 : i32
    %jit3A_92 = arith.constant 0 : i32
    %select_n3A_93 = arith.select %lt3A_90, %jit3A_91, %jit3A_92 : i32
    %add3A_94 = arith.constant 24 : i32
    %add3A_95 = arith.addi %add3A_94, %select_n3A_93 : i32
    %eq3A_96 = arith.constant 31 : i32
    %eq3A_97 = arith.cmpi eq, %add3A_88, %eq3A_96 : i32
    %convert_element_type3A_98 = arith.extui %eq3A_97 : i1 to i32
    %cond3A_99 = arith.constant 0 : i32
    %cond3A_100 = arith.cmpi ne, %convert_element_type3A_98, %cond3A_99 : i32
    scf.if %cond3A_100 {
      "tpu.region"() ({
        %run_scoped3A = tpu.sem_alloc : memref<!tpu.dma_semaphore, #tpu.memory_space<semaphore_mem>>
        %dma_start3A_334 = arith.constant 0 : i32
        %dma_start3A_335 = tpu.memref_slice %arg13[%dma_start3A_334] : memref<128xi32, #tpu.memory_space<vmem>> -> memref<32xi32, #tpu.memory_space<vmem>>
        %dma_start3A_336 = arith.constant 99968 : i32
        %dma_start3A_337 = tpu.memref_slice %arg3[%dma_start3A_336] : memref<100000xi32, #tpu.memory_space<hbm>> -> memref<32xi32, #tpu.memory_space<hbm>>
        %dma_start3A_338 = arith.constant 0 : i32
        %dma_start3A_339 = tpu.memref_slice %arg13[%dma_start3A_338] : memref<128xi32, #tpu.memory_space<vmem>> -> memref<32xi32, #tpu.memory_space<vmem>>
        %dma_start3A_340 = arith.constant 99968 : i32
        %dma_start3A_341 = tpu.memref_slice %arg3[%dma_start3A_340] : memref<100000xi32, #tpu.memory_space<hbm>> -> memref<32xi32, #tpu.memory_space<hbm>>
        tpu.enqueue_dma source(%dma_start3A_341 : memref<32xi32, #tpu.memory_space<hbm>>) target(%dma_start3A_339 : memref<32xi32, #tpu.memory_space<vmem>>) target_semaphore(%run_scoped3A : memref<!tpu.dma_semaphore, #tpu.memory_space<semaphore_mem>>)
        %dma_wait3A_342 = arith.constant 0 : i32
        %dma_wait3A_343 = tpu.memref_slice %arg13[%dma_wait3A_342] : memref<128xi32, #tpu.memory_space<vmem>> -> memref<32xi32, #tpu.memory_space<vmem>>
        %dma_wait3A_344 = arith.constant 99968 : i32
        %dma_wait3A_345 = tpu.memref_slice %arg3[%dma_wait3A_344] : memref<100000xi32, #tpu.memory_space<hbm>> -> memref<32xi32, #tpu.memory_space<hbm>>
        %dma_wait3A_346 = arith.constant 0 : i32
        %dma_wait3A_347 = tpu.memref_slice %arg13[%dma_wait3A_346] : memref<128xi32, #tpu.memory_space<vmem>> -> memref<32xi32, #tpu.memory_space<vmem>>
        %dma_wait3A_348 = arith.constant 99968 : i32
        %dma_wait3A_349 = tpu.memref_slice %arg3[%dma_wait3A_348] : memref<100000xi32, #tpu.memory_space<hbm>> -> memref<32xi32, #tpu.memory_space<hbm>>
        tpu.wait_dma2 semaphore(%run_scoped3A : memref<!tpu.dma_semaphore, #tpu.memory_space<semaphore_mem>>) src(%dma_wait3A_349 : memref<32xi32, #tpu.memory_space<hbm>>) dst(%dma_wait3A_347 : memref<32xi32, #tpu.memory_space<vmem>>)
        tpu.yield
      }) : () -> ()
      "tpu.region"() ({
        %run_scoped3A = tpu.sem_alloc : memref<!tpu.dma_semaphore, #tpu.memory_space<semaphore_mem>>
        %dma_start3A_334 = arith.constant 0 : i32
        %dma_start3A_335 = arith.constant 0 : i32
        %dma_start3A_336 = tpu.memref_slice %arg17[%dma_start3A_334, %dma_start3A_335] : memref<128x128xf32, #tpu.memory_space<vmem>> -> memref<32x128xf32, #tpu.memory_space<vmem>>
        %dma_start3A_337 = arith.constant 99968 : i32
        %dma_start3A_338 = arith.constant 0 : i32
        %dma_start3A_339 = tpu.memref_slice %arg2[%dma_start3A_337, %dma_start3A_338] : memref<100000x128xf32, #tpu.memory_space<hbm>> -> memref<32x128xf32, #tpu.memory_space<hbm>>
        %dma_start3A_340 = arith.constant 0 : i32
        %dma_start3A_341 = arith.constant 0 : i32
        %dma_start3A_342 = tpu.memref_slice %arg17[%dma_start3A_340, %dma_start3A_341] : memref<128x128xf32, #tpu.memory_space<vmem>> -> memref<32x128xf32, #tpu.memory_space<vmem>>
        %dma_start3A_343 = arith.constant 99968 : i32
        %dma_start3A_344 = arith.constant 0 : i32
        %dma_start3A_345 = tpu.memref_slice %arg2[%dma_start3A_343, %dma_start3A_344] : memref<100000x128xf32, #tpu.memory_space<hbm>> -> memref<32x128xf32, #tpu.memory_space<hbm>>
        tpu.enqueue_dma source(%dma_start3A_345 : memref<32x128xf32, #tpu.memory_space<hbm>>) target(%dma_start3A_342 : memref<32x128xf32, #tpu.memory_space<vmem>>) target_semaphore(%run_scoped3A : memref<!tpu.dma_semaphore, #tpu.memory_space<semaphore_mem>>)
        %dma_wait3A_346 = arith.constant 0 : i32
        %dma_wait3A_347 = arith.constant 0 : i32
        %dma_wait3A_348 = tpu.memref_slice %arg17[%dma_wait3A_346, %dma_wait3A_347] : memref<128x128xf32, #tpu.memory_space<vmem>> -> memref<32x128xf32, #tpu.memory_space<vmem>>
        %dma_wait3A_349 = arith.constant 99968 : i32
        %dma_wait3A_350 = arith.constant 0 : i32
        %dma_wait3A_351 = tpu.memref_slice %arg2[%dma_wait3A_349, %dma_wait3A_350] : memref<100000x128xf32, #tpu.memory_space<hbm>> -> memref<32x128xf32, #tpu.memory_space<hbm>>
        %dma_wait3A_352 = arith.constant 0 : i32
        %dma_wait3A_353 = arith.constant 0 : i32
        %dma_wait3A_354 = tpu.memref_slice %arg17[%dma_wait3A_352, %dma_wait3A_353] : memref<128x128xf32, #tpu.memory_space<vmem>> -> memref<32x128xf32, #tpu.memory_space<vmem>>
        %dma_wait3A_355 = arith.constant 99968 : i32
        %dma_wait3A_356 = arith.constant 0 : i32
        %dma_wait3A_357 = tpu.memref_slice %arg2[%dma_wait3A_355, %dma_wait3A_356] : memref<100000x128xf32, #tpu.memory_space<hbm>> -> memref<32x128xf32, #tpu.memory_space<hbm>>
        tpu.wait_dma2 semaphore(%run_scoped3A : memref<!tpu.dma_semaphore, #tpu.memory_space<semaphore_mem>>) src(%dma_wait3A_357 : memref<32x128xf32, #tpu.memory_space<hbm>>) dst(%dma_wait3A_354 : memref<32x128xf32, #tpu.memory_space<vmem>>)
        tpu.yield
      }) : () -> ()
      %get3A_288 = arith.constant 0 : index
      %get3A_289 = tpu.vector_load %arg13[%get3A_288] {strides = array<i32>} : memref<128xi32, #tpu.memory_space<vmem>>, vector<16xi32>,
      %gather3A_290 = tpu.vector_load_idx %arg10[%get3A_289] : memref<64xi32, #tpu.memory_space<vmem>>[vector<16xi32>], vector<16xi32>,
      %add3A_291 = arith.constant 99968 : i32
      %add3A_292 = vector.broadcast %add3A_291 : i32 to vector<16xi32>
      %add3A_293 = arith.addi %add3A_292, %iota3A : vector<16xi32>
      %sub3A_294 = arith.subi %add3A_293, %gather3A_290 : vector<16xi32>
      %add3A_295 = arith.constant 1 : i32
      %add3A_296 = vector.broadcast %add3A_295 : i32 to vector<16xi32>
      %add3A_297 = arith.addi %sub3A_294, %add3A_296 : vector<16xi32>
      %min3A_298 = arith.constant 4095 : i32
      %min3A_299 = vector.broadcast %min3A_298 : i32 to vector<16xi32>
      %min3A_300 = arith.minsi %add3A_297, %min3A_299 : vector<16xi32>
      %swap3A_301 = arith.constant 0 : index
      %swap3A_302 = tpu.vector_load %arg15[%swap3A_301] {strides = array<i32>} : memref<128xi32, #tpu.memory_space<vmem>>, vector<16xi32>,
      tpu.vector_store %arg15[%swap3A_301], %min3A_300 {strides = array<i32>} : memref<128xi32, #tpu.memory_space<vmem>>, vector<16xi32>,
      %get3A_303 = arith.constant 16 : index
      %get3A_304 = tpu.vector_load %arg13[%get3A_303] {strides = array<i32>} : memref<128xi32, #tpu.memory_space<vmem>>, vector<16xi32>,
      %gather3A_305 = tpu.vector_load_idx %arg10[%get3A_304] : memref<64xi32, #tpu.memory_space<vmem>>[vector<16xi32>], vector<16xi32>,
      %add3A_306 = arith.constant 99984 : i32
      %add3A_307 = vector.broadcast %add3A_306 : i32 to vector<16xi32>
      %add3A_308 = arith.addi %add3A_307, %iota3A : vector<16xi32>
      %sub3A_309 = arith.subi %add3A_308, %gather3A_305 : vector<16xi32>
      %add3A_310 = arith.constant 1 : i32
      %add3A_311 = vector.broadcast %add3A_310 : i32 to vector<16xi32>
      %add3A_312 = arith.addi %sub3A_309, %add3A_311 : vector<16xi32>
      %min3A_313 = arith.constant 4095 : i32
      %min3A_314 = vector.broadcast %min3A_313 : i32 to vector<16xi32>
      %min3A_315 = arith.minsi %add3A_312, %min3A_314 : vector<16xi32>
      %swap3A_316 = arith.constant 16 : index
      %swap3A_317 = tpu.vector_load %arg15[%swap3A_316] {strides = array<i32>} : memref<128xi32, #tpu.memory_space<vmem>>, vector<16xi32>,
      tpu.vector_store %arg15[%swap3A_316], %min3A_315 {strides = array<i32>} : memref<128xi32, #tpu.memory_space<vmem>>, vector<16xi32>,
      %dma_start3A_318 = arith.constant 0 : i32
      %dma_start3A_319 = arith.constant 0 : i32
      %dma_start3A_320 = tpu.memref_slice %arg17[%dma_start3A_318, %dma_start3A_319] : memref<128x128xf32, #tpu.memory_space<vmem>> -> memref<32x128xf32, #tpu.memory_space<vmem>>
      %dma_start3A_321 = arith.constant 0 : i32
      %dma_start3A_322 = tpu.memref_slice %arg15[%dma_start3A_321] : memref<128xi32, #tpu.memory_space<vmem>> -> memref<32xi32, #tpu.memory_space<vmem>>
      %dma_start3A_323 = arith.constant 0 : i32
      %dma_start3A_324 = arith.constant 0 : i32
      %dma_start3A_325 = tpu.memref_slice %arg12[%dma_start3A_323, %dma_start3A_324] : memref<4096x128xf32, #tpu.memory_space<vmem_shared>> -> memref<4096x128xf32, #tpu.memory_space<vmem_shared>>
      tpu.enqueue_indirect_dma source(%dma_start3A_325 : memref<4096x128xf32, #tpu.memory_space<vmem_shared>>) target(%dma_start3A_320 : memref<32x128xf32, #tpu.memory_space<vmem>>) offsets(%dma_start3A_322 : memref<32xi32, #tpu.memory_space<vmem>>) semaphore(%arg27 : memref<!tpu.dma_semaphore, #tpu.memory_space<semaphore_mem>>) {add = true}
      %dma_wait3A_326 = arith.constant 0 : i32
      %dma_wait3A_327 = arith.constant 0 : i32
      %dma_wait3A_328 = tpu.memref_slice %arg17[%dma_wait3A_326, %dma_wait3A_327] : memref<128x128xf32, #tpu.memory_space<vmem>> -> memref<32x128xf32, #tpu.memory_space<vmem>>
      %dma_wait3A_329 = arith.constant 0 : i32
      %dma_wait3A_330 = tpu.memref_slice %arg15[%dma_wait3A_329] : memref<128xi32, #tpu.memory_space<vmem>> -> memref<32xi32, #tpu.memory_space<vmem>>
      %dma_wait3A_331 = arith.constant 0 : i32
      %dma_wait3A_332 = arith.constant 0 : i32
      %dma_wait3A_333 = tpu.memref_slice %arg12[%dma_wait3A_331, %dma_wait3A_332] : memref<4096x128xf32, #tpu.memory_space<vmem_shared>> -> memref<4096x128xf32, #tpu.memory_space<vmem_shared>>
      tpu.wait_indirect_dma semaphore(%arg27 : memref<!tpu.dma_semaphore, #tpu.memory_space<semaphore_mem>>) src(%dma_wait3A_333 : memref<4096x128xf32, #tpu.memory_space<vmem_shared>>) dst(%dma_wait3A_328 : memref<32x128xf32, #tpu.memory_space<vmem>>)
      "tpu.region"() ({
        %run_scoped3A = tpu.sem_alloc : memref<!tpu.dma_semaphore, #tpu.memory_space<semaphore_mem>>
        %dma_start3A_334 = arith.constant 0 : i32
        %dma_start3A_335 = arith.constant 0 : i32
        %dma_start3A_336 = tpu.memref_slice %arg17[%dma_start3A_334, %dma_start3A_335] : memref<128x128xf32, #tpu.memory_space<vmem>> -> memref<32x128xf32, #tpu.memory_space<vmem>>
        %dma_start3A_337 = arith.constant 99968 : i32
        %dma_start3A_338 = arith.constant 0 : i32
        %dma_start3A_339 = tpu.memref_slice %arg5[%dma_start3A_337, %dma_start3A_338] : memref<100000x128xf32, #tpu.memory_space<hbm>> -> memref<32x128xf32, #tpu.memory_space<hbm>>
        %dma_start3A_340 = arith.constant 99968 : i32
        %dma_start3A_341 = arith.constant 0 : i32
        %dma_start3A_342 = tpu.memref_slice %arg5[%dma_start3A_340, %dma_start3A_341] : memref<100000x128xf32, #tpu.memory_space<hbm>> -> memref<32x128xf32, #tpu.memory_space<hbm>>
        %dma_start3A_343 = arith.constant 0 : i32
        %dma_start3A_344 = arith.constant 0 : i32
        %dma_start3A_345 = tpu.memref_slice %arg17[%dma_start3A_343, %dma_start3A_344] : memref<128x128xf32, #tpu.memory_space<vmem>> -> memref<32x128xf32, #tpu.memory_space<vmem>>
        tpu.enqueue_dma source(%dma_start3A_345 : memref<32x128xf32, #tpu.memory_space<vmem>>) target(%dma_start3A_342 : memref<32x128xf32, #tpu.memory_space<hbm>>) target_semaphore(%run_scoped3A : memref<!tpu.dma_semaphore, #tpu.memory_space<semaphore_mem>>)
        %dma_wait3A_346 = arith.constant 0 : i32
        %dma_wait3A_347 = arith.constant 0 : i32
        %dma_wait3A_348 = tpu.memref_slice %arg17[%dma_wait3A_346, %dma_wait3A_347] : memref<128x128xf32, #tpu.memory_space<vmem>> -> memref<32x128xf32, #tpu.memory_space<vmem>>
        %dma_wait3A_349 = arith.constant 99968 : i32
        %dma_wait3A_350 = arith.constant 0 : i32
        %dma_wait3A_351 = tpu.memref_slice %arg5[%dma_wait3A_349, %dma_wait3A_350] : memref<100000x128xf32, #tpu.memory_space<hbm>> -> memref<32x128xf32, #tpu.memory_space<hbm>>
        %dma_wait3A_352 = arith.constant 99968 : i32
        %dma_wait3A_353 = arith.constant 0 : i32
        %dma_wait3A_354 = tpu.memref_slice %arg5[%dma_wait3A_352, %dma_wait3A_353] : memref<100000x128xf32, #tpu.memory_space<hbm>> -> memref<32x128xf32, #tpu.memory_space<hbm>>
        %dma_wait3A_355 = arith.constant 0 : i32
        %dma_wait3A_356 = arith.constant 0 : i32
        %dma_wait3A_357 = tpu.memref_slice %arg17[%dma_wait3A_355, %dma_wait3A_356] : memref<128x128xf32, #tpu.memory_space<vmem>> -> memref<32x128xf32, #tpu.memory_space<vmem>>
        tpu.wait_dma2 semaphore(%run_scoped3A : memref<!tpu.dma_semaphore, #tpu.memory_space<semaphore_mem>>) src(%dma_wait3A_357 : memref<32x128xf32, #tpu.memory_space<vmem>>) dst(%dma_wait3A_354 : memref<32x128xf32, #tpu.memory_space<hbm>>)
        tpu.yield
      }) : () -> ()
    } else {
    }
    %add3A_101 = arith.constant 0 : i32
    %add3A_102 = arith.addi %add3A_88, %add3A_101 : i32
    %mul3A_103 = arith.constant 128 : i32
    %mul3A_104 = arith.muli %add3A_102, %mul3A_103 : i32
    %dma_start3A_105 = tpu.memref_slice %arg3[%mul3A_104] : memref<100000xi32, #tpu.memory_space<hbm>> -> memref<128xi32, #tpu.memory_space<hbm>>
    %dma_start3A_106 = tpu.memref_slice %arg3[%mul3A_104] : memref<100000xi32, #tpu.memory_space<hbm>> -> memref<128xi32, #tpu.memory_space<hbm>>
    tpu.enqueue_dma source(%dma_start3A_106 : memref<128xi32, #tpu.memory_space<hbm>>) target(%arg13 : memref<128xi32, #tpu.memory_space<vmem>>) target_semaphore(%arg21 : memref<!tpu.dma_semaphore, #tpu.memory_space<semaphore_mem>>)
    %add3A_107 = arith.constant 0 : i32
    %add3A_108 = arith.addi %add3A_88, %add3A_107 : i32
    %mul3A_109 = arith.constant 128 : i32
    %mul3A_110 = arith.muli %add3A_108, %mul3A_109 : i32
    %dma_start3A_111 = arith.constant 0 : i32
    %dma_start3A_112 = tpu.memref_slice %arg2[%mul3A_110, %dma_start3A_111] : memref<100000x128xf32, #tpu.memory_space<hbm>> -> memref<128x128xf32, #tpu.memory_space<hbm>>
    %dma_start3A_113 = arith.constant 0 : i32
    %dma_start3A_114 = tpu.memref_slice %arg2[%mul3A_110, %dma_start3A_113] : memref<100000x128xf32, #tpu.memory_space<hbm>> -> memref<128x128xf32, #tpu.memory_space<hbm>>
    tpu.enqueue_dma source(%dma_start3A_114 : memref<128x128xf32, #tpu.memory_space<hbm>>) target(%arg17 : memref<128x128xf32, #tpu.memory_space<vmem>>) target_semaphore(%arg23 : memref<!tpu.dma_semaphore, #tpu.memory_space<semaphore_mem>>)
    %add3A_115 = arith.constant 32 : i32
    %add3A_116 = arith.addi %add3A_88, %add3A_115 : i32
    %mul3A_117 = arith.constant 128 : i32
    %mul3A_118 = arith.muli %add3A_116, %mul3A_117 : i32
    %dma_start3A_119 = tpu.memref_slice %arg3[%mul3A_118] : memref<100000xi32, #tpu.memory_space<hbm>> -> memref<128xi32, #tpu.memory_space<hbm>>
    %dma_start3A_120 = tpu.memref_slice %arg3[%mul3A_118] : memref<100000xi32, #tpu.memory_space<hbm>> -> memref<128xi32, #tpu.memory_space<hbm>>
    tpu.enqueue_dma source(%dma_start3A_120 : memref<128xi32, #tpu.memory_space<hbm>>) target(%arg14 : memref<128xi32, #tpu.memory_space<vmem>>) target_semaphore(%arg22 : memref<!tpu.dma_semaphore, #tpu.memory_space<semaphore_mem>>)
    %add3A_121 = arith.constant 32 : i32
    %add3A_122 = arith.addi %add3A_88, %add3A_121 : i32
    %mul3A_123 = arith.constant 128 : i32
    %mul3A_124 = arith.muli %add3A_122, %mul3A_123 : i32
    %dma_start3A_125 = arith.constant 0 : i32
    %dma_start3A_126 = tpu.memref_slice %arg2[%mul3A_124, %dma_start3A_125] : memref<100000x128xf32, #tpu.memory_space<hbm>> -> memref<128x128xf32, #tpu.memory_space<hbm>>
    %dma_start3A_127 = arith.constant 0 : i32
    %dma_start3A_128 = tpu.memref_slice %arg2[%mul3A_124, %dma_start3A_127] : memref<100000x128xf32, #tpu.memory_space<hbm>> -> memref<128x128xf32, #tpu.memory_space<hbm>>
    tpu.enqueue_dma source(%dma_start3A_128 : memref<128x128xf32, #tpu.memory_space<hbm>>) target(%arg18 : memref<128x128xf32, #tpu.memory_space<vmem>>) target_semaphore(%arg24 : memref<!tpu.dma_semaphore, #tpu.memory_space<semaphore_mem>>)
    %add3A_129 = arith.constant 0 : i32
    %add3A_130 = arith.addi %add3A_88, %add3A_129 : i32
    %mul3A_131 = arith.constant 128 : i32
    %mul3A_132 = arith.muli %add3A_130, %mul3A_131 : i32
    %dma_wait3A_133 = tpu.memref_slice %arg3[%mul3A_132] : memref<100000xi32, #tpu.memory_space<hbm>> -> memref<128xi32, #tpu.memory_space<hbm>>
    %dma_wait3A_134 = tpu.memref_slice %arg3[%mul3A_132] : memref<100000xi32, #tpu.memory_space<hbm>> -> memref<128xi32, #tpu.memory_space<hbm>>
    tpu.wait_dma2 semaphore(%arg21 : memref<!tpu.dma_semaphore, #tpu.memory_space<semaphore_mem>>) src(%dma_wait3A_134 : memref<128xi32, #tpu.memory_space<hbm>>) dst(%arg13 : memref<128xi32, #tpu.memory_space<vmem>>)
    %add3A_135 = arith.constant 0 : i32
    %add3A_136 = arith.addi %add3A_88, %add3A_135 : i32
    %mul3A_137 = arith.constant 128 : i32
    %mul3A_138 = arith.muli %add3A_136, %mul3A_137 : i32
    %get3A = arith.constant 0 : index
    %get3A_139 = tpu.vector_load %arg13[%get3A] {strides = array<i32>} : memref<128xi32, #tpu.memory_space<vmem>>, vector<16xi32>,
    %gather3A = tpu.vector_load_idx %arg10[%get3A_139] : memref<64xi32, #tpu.memory_space<vmem>>[vector<16xi32>], vector<16xi32>,
    %add3A_140 = arith.constant 0 : i32
    %add3A_141 = arith.addi %mul3A_138, %add3A_140 : i32
    %add3A_142 = vector.broadcast %add3A_141 : i32 to vector<16xi32>
    %add3A_143 = arith.addi %add3A_142, %iota3A : vector<16xi32>
    %sub3A = arith.subi %add3A_143, %gather3A : vector<16xi32>
    %add3A_144 = arith.constant 1 : i32
    %add3A_145 = vector.broadcast %add3A_144 : i32 to vector<16xi32>
    %add3A_146 = arith.addi %sub3A, %add3A_145 : vector<16xi32>
    %min3A = arith.constant 4095 : i32
    %min3A_147 = vector.broadcast %min3A : i32 to vector<16xi32>
    %min3A_148 = arith.minsi %add3A_146, %min3A_147 : vector<16xi32>
    %swap3A_149 = arith.constant 0 : index
    %swap3A_150 = tpu.vector_load %arg15[%swap3A_149] {strides = array<i32>} : memref<128xi32, #tpu.memory_space<vmem>>, vector<16xi32>,
    tpu.vector_store %arg15[%swap3A_149], %min3A_148 {strides = array<i32>} : memref<128xi32, #tpu.memory_space<vmem>>, vector<16xi32>,
    %get3A_151 = arith.constant 16 : index
    %get3A_152 = tpu.vector_load %arg13[%get3A_151] {strides = array<i32>} : memref<128xi32, #tpu.memory_space<vmem>>, vector<16xi32>,
    %gather3A_153 = tpu.vector_load_idx %arg10[%get3A_152] : memref<64xi32, #tpu.memory_space<vmem>>[vector<16xi32>], vector<16xi32>,
    %add3A_154 = arith.constant 16 : i32
    %add3A_155 = arith.addi %mul3A_138, %add3A_154 : i32
    %add3A_156 = vector.broadcast %add3A_155 : i32 to vector<16xi32>
    %add3A_157 = arith.addi %add3A_156, %iota3A : vector<16xi32>
    %sub3A_158 = arith.subi %add3A_157, %gather3A_153 : vector<16xi32>
    %add3A_159 = arith.constant 1 : i32
    %add3A_160 = vector.broadcast %add3A_159 : i32 to vector<16xi32>
    %add3A_161 = arith.addi %sub3A_158, %add3A_160 : vector<16xi32>
    %min3A_162 = arith.constant 4095 : i32
    %min3A_163 = vector.broadcast %min3A_162 : i32 to vector<16xi32>
    %min3A_164 = arith.minsi %add3A_161, %min3A_163 : vector<16xi32>
    %swap3A_165 = arith.constant 16 : index
    %swap3A_166 = tpu.vector_load %arg15[%swap3A_165] {strides = array<i32>} : memref<128xi32, #tpu.memory_space<vmem>>, vector<16xi32>,
    tpu.vector_store %arg15[%swap3A_165], %min3A_164 {strides = array<i32>} : memref<128xi32, #tpu.memory_space<vmem>>, vector<16xi32>,
    %get3A_167 = arith.constant 32 : index
    %get3A_168 = tpu.vector_load %arg13[%get3A_167] {strides = array<i32>} : memref<128xi32, #tpu.memory_space<vmem>>, vector<16xi32>,
    %gather3A_169 = tpu.vector_load_idx %arg10[%get3A_168] : memref<64xi32, #tpu.memory_space<vmem>>[vector<16xi32>], vector<16xi32>,
    %add3A_170 = arith.constant 32 : i32
    %add3A_171 = arith.addi %mul3A_138, %add3A_170 : i32
    %add3A_172 = vector.broadcast %add3A_171 : i32 to vector<16xi32>
    %add3A_173 = arith.addi %add3A_172, %iota3A : vector<16xi32>
    %sub3A_174 = arith.subi %add3A_173, %gather3A_169 : vector<16xi32>
    %add3A_175 = arith.constant 1 : i32
    %add3A_176 = vector.broadcast %add3A_175 : i32 to vector<16xi32>
    %add3A_177 = arith.addi %sub3A_174, %add3A_176 : vector<16xi32>
    %min3A_178 = arith.constant 4095 : i32
    %min3A_179 = vector.broadcast %min3A_178 : i32 to vector<16xi32>
    %min3A_180 = arith.minsi %add3A_177, %min3A_179 : vector<16xi32>
    %swap3A_181 = arith.constant 32 : index
    %swap3A_182 = tpu.vector_load %arg15[%swap3A_181] {strides = array<i32>} : memref<128xi32, #tpu.memory_space<vmem>>, vector<16xi32>,
    tpu.vector_store %arg15[%swap3A_181], %min3A_180 {strides = array<i32>} : memref<128xi32, #tpu.memory_space<vmem>>, vector<16xi32>,
    %get3A_183 = arith.constant 48 : index
    %get3A_184 = tpu.vector_load %arg13[%get3A_183] {strides = array<i32>} : memref<128xi32, #tpu.memory_space<vmem>>, vector<16xi32>,
    %gather3A_185 = tpu.vector_load_idx %arg10[%get3A_184] : memref<64xi32, #tpu.memory_space<vmem>>[vector<16xi32>], vector<16xi32>,
    %add3A_186 = arith.constant 48 : i32
    %add3A_187 = arith.addi %mul3A_138, %add3A_186 : i32
    %add3A_188 = vector.broadcast %add3A_187 : i32 to vector<16xi32>
    %add3A_189 = arith.addi %add3A_188, %iota3A : vector<16xi32>
    %sub3A_190 = arith.subi %add3A_189, %gather3A_185 : vector<16xi32>
    %add3A_191 = arith.constant 1 : i32
    %add3A_192 = vector.broadcast %add3A_191 : i32 to vector<16xi32>
    %add3A_193 = arith.addi %sub3A_190, %add3A_192 : vector<16xi32>
    %min3A_194 = arith.constant 4095 : i32
    %min3A_195 = vector.broadcast %min3A_194 : i32 to vector<16xi32>
    %min3A_196 = arith.minsi %add3A_193, %min3A_195 : vector<16xi32>
    %swap3A_197 = arith.constant 48 : index
    %swap3A_198 = tpu.vector_load %arg15[%swap3A_197] {strides = array<i32>} : memref<128xi32, #tpu.memory_space<vmem>>, vector<16xi32>,
    tpu.vector_store %arg15[%swap3A_197], %min3A_196 {strides = array<i32>} : memref<128xi32, #tpu.memory_space<vmem>>, vector<16xi32>,
    %get3A_199 = arith.constant 64 : index
    %get3A_200 = tpu.vector_load %arg13[%get3A_199] {strides = array<i32>} : memref<128xi32, #tpu.memory_space<vmem>>, vector<16xi32>,
    %gather3A_201 = tpu.vector_load_idx %arg10[%get3A_200] : memref<64xi32, #tpu.memory_space<vmem>>[vector<16xi32>], vector<16xi32>,
    %add3A_202 = arith.constant 64 : i32
    %add3A_203 = arith.addi %mul3A_138, %add3A_202 : i32
    %add3A_204 = vector.broadcast %add3A_203 : i32 to vector<16xi32>
    %add3A_205 = arith.addi %add3A_204, %iota3A : vector<16xi32>
    %sub3A_206 = arith.subi %add3A_205, %gather3A_201 : vector<16xi32>
    %add3A_207 = arith.constant 1 : i32
    %add3A_208 = vector.broadcast %add3A_207 : i32 to vector<16xi32>
    %add3A_209 = arith.addi %sub3A_206, %add3A_208 : vector<16xi32>
    %min3A_210 = arith.constant 4095 : i32
    %min3A_211 = vector.broadcast %min3A_210 : i32 to vector<16xi32>
    %min3A_212 = arith.minsi %add3A_209, %min3A_211 : vector<16xi32>
    %swap3A_213 = arith.constant 64 : index
    %swap3A_214 = tpu.vector_load %arg15[%swap3A_213] {strides = array<i32>} : memref<128xi32, #tpu.memory_space<vmem>>, vector<16xi32>,
    tpu.vector_store %arg15[%swap3A_213], %min3A_212 {strides = array<i32>} : memref<128xi32, #tpu.memory_space<vmem>>, vector<16xi32>,
    %get3A_215 = arith.constant 80 : index
    %get3A_216 = tpu.vector_load %arg13[%get3A_215] {strides = array<i32>} : memref<128xi32, #tpu.memory_space<vmem>>, vector<16xi32>,
    %gather3A_217 = tpu.vector_load_idx %arg10[%get3A_216] : memref<64xi32, #tpu.memory_space<vmem>>[vector<16xi32>], vector<16xi32>,
    %add3A_218 = arith.constant 80 : i32
    %add3A_219 = arith.addi %mul3A_138, %add3A_218 : i32
    %add3A_220 = vector.broadcast %add3A_219 : i32 to vector<16xi32>
    %add3A_221 = arith.addi %add3A_220, %iota3A : vector<16xi32>
    %sub3A_222 = arith.subi %add3A_221, %gather3A_217 : vector<16xi32>
    %add3A_223 = arith.constant 1 : i32
    %add3A_224 = vector.broadcast %add3A_223 : i32 to vector<16xi32>
    %add3A_225 = arith.addi %sub3A_222, %add3A_224 : vector<16xi32>
    %min3A_226 = arith.constant 4095 : i32
    %min3A_227 = vector.broadcast %min3A_226 : i32 to vector<16xi32>
    %min3A_228 = arith.minsi %add3A_225, %min3A_227 : vector<16xi32>
    %swap3A_229 = arith.constant 80 : index
    %swap3A_230 = tpu.vector_load %arg15[%swap3A_229] {strides = array<i32>} : memref<128xi32, #tpu.memory_space<vmem>>, vector<16xi32>,
    tpu.vector_store %arg15[%swap3A_229], %min3A_228 {strides = array<i32>} : memref<128xi32, #tpu.memory_space<vmem>>, vector<16xi32>,
    %get3A_231 = arith.constant 96 : index
    %get3A_232 = tpu.vector_load %arg13[%get3A_231] {strides = array<i32>} : memref<128xi32, #tpu.memory_space<vmem>>, vector<16xi32>,
    %gather3A_233 = tpu.vector_load_idx %arg10[%get3A_232] : memref<64xi32, #tpu.memory_space<vmem>>[vector<16xi32>], vector<16xi32>,
    %add3A_234 = arith.constant 96 : i32
    %add3A_235 = arith.addi %mul3A_138, %add3A_234 : i32
    %add3A_236 = vector.broadcast %add3A_235 : i32 to vector<16xi32>
    %add3A_237 = arith.addi %add3A_236, %iota3A : vector<16xi32>
    %sub3A_238 = arith.subi %add3A_237, %gather3A_233 : vector<16xi32>
    %add3A_239 = arith.constant 1 : i32
    %add3A_240 = vector.broadcast %add3A_239 : i32 to vector<16xi32>
    %add3A_241 = arith.addi %sub3A_238, %add3A_240 : vector<16xi32>
    %min3A_242 = arith.constant 4095 : i32
    %min3A_243 = vector.broadcast %min3A_242 : i32 to vector<16xi32>
    %min3A_244 = arith.minsi %add3A_241, %min3A_243 : vector<16xi32>
    %swap3A_245 = arith.constant 96 : index
    %swap3A_246 = tpu.vector_load %arg15[%swap3A_245] {strides = array<i32>} : memref<128xi32, #tpu.memory_space<vmem>>, vector<16xi32>,
    tpu.vector_store %arg15[%swap3A_245], %min3A_244 {strides = array<i32>} : memref<128xi32, #tpu.memory_space<vmem>>, vector<16xi32>,
    %get3A_247 = arith.constant 112 : index
    %get3A_248 = tpu.vector_load %arg13[%get3A_247] {strides = array<i32>} : memref<128xi32, #tpu.memory_space<vmem>>, vector<16xi32>,
    %gather3A_249 = tpu.vector_load_idx %arg10[%get3A_248] : memref<64xi32, #tpu.memory_space<vmem>>[vector<16xi32>], vector<16xi32>,
    %add3A_250 = arith.constant 112 : i32
    %add3A_251 = arith.addi %mul3A_138, %add3A_250 : i32
    %add3A_252 = vector.broadcast %add3A_251 : i32 to vector<16xi32>
    %add3A_253 = arith.addi %add3A_252, %iota3A : vector<16xi32>
    %sub3A_254 = arith.subi %add3A_253, %gather3A_249 : vector<16xi32>
    %add3A_255 = arith.constant 1 : i32
    %add3A_256 = vector.broadcast %add3A_255 : i32 to vector<16xi32>
    %add3A_257 = arith.addi %sub3A_254, %add3A_256 : vector<16xi32>
    %min3A_258 = arith.constant 4095 : i32
    %min3A_259 = vector.broadcast %min3A_258 : i32 to vector<16xi32>
    %min3A_260 = arith.minsi %add3A_257, %min3A_259 : vector<16xi32>
    %swap3A_261 = arith.constant 112 : index
    %swap3A_262 = tpu.vector_load %arg15[%swap3A_261] {strides = array<i32>} : memref<128xi32, #tpu.memory_space<vmem>>, vector<16xi32>,
    tpu.vector_store %arg15[%swap3A_261], %min3A_260 {strides = array<i32>} : memref<128xi32, #tpu.memory_space<vmem>>, vector<16xi32>,
    %add3A_263 = arith.constant 0 : i32
    %add3A_264 = arith.addi %add3A_88, %add3A_263 : i32
    %mul3A_265 = arith.constant 128 : i32
    %mul3A_266 = arith.muli %add3A_264, %mul3A_265 : i32
    %dma_wait3A_267 = arith.constant 0 : i32
    %dma_wait3A_268 = tpu.memref_slice %arg2[%mul3A_266, %dma_wait3A_267] : memref<100000x128xf32, #tpu.memory_space<hbm>> -> memref<128x128xf32, #tpu.memory_space<hbm>>
    %dma_wait3A_269 = arith.constant 0 : i32
    %dma_wait3A_270 = tpu.memref_slice %arg2[%mul3A_266, %dma_wait3A_269] : memref<100000x128xf32, #tpu.memory_space<hbm>> -> memref<128x128xf32, #tpu.memory_space<hbm>>
    tpu.wait_dma2 semaphore(%arg23 : memref<!tpu.dma_semaphore, #tpu.memory_space<semaphore_mem>>) src(%dma_wait3A_270 : memref<128x128xf32, #tpu.memory_space<hbm>>) dst(%arg17 : memref<128x128xf32, #tpu.memory_space<vmem>>)
    %dma_start3A_271 = arith.constant 0 : i32
    %dma_start3A_272 = arith.constant 0 : i32
    %dma_start3A_273 = tpu.memref_slice %arg12[%dma_start3A_271, %dma_start3A_272] : memref<4096x128xf32, #tpu.memory_space<vmem_shared>> -> memref<4096x128xf32, #tpu.memory_space<vmem_shared>>
    tpu.enqueue_indirect_dma source(%dma_start3A_273 : memref<4096x128xf32, #tpu.memory_space<vmem_shared>>) target(%arg17 : memref<128x128xf32, #tpu.memory_space<vmem>>) offsets(%arg15 : memref<128xi32, #tpu.memory_space<vmem>>) semaphore(%arg27 : memref<!tpu.dma_semaphore, #tpu.memory_space<semaphore_mem>>) {add = true}
    %scan3A = arith.constant 0 : i32
    %scan3A_274 = arith.constant 0 : i32
    %scan3A_275 = arith.constant 7 : i32
    %scan3A_276 = arith.addi %scan3A_274, %scan3A_275 : i32
    %scan3A_277 = arith.constant 1 : i32
    scf.for %scan3A_288 = %scan3A_274 to %scan3A_276 step %scan3A_277  : i32 {
      %mul3A_289 = arith.constant 4 : i32
      %mul3A_290 = arith.muli %mul3A_289, %scan3A_288 : i32
      %add3A_291 = arith.constant 0 : i32
      %add3A_292 = arith.addi %mul3A_290, %add3A_291 : i32
      %lt3A_293 = arith.cmpi slt, %add3A_292, %add3A_95 : i32
      %convert_element_type3A_294 = arith.extui %lt3A_293 : i1 to i32
      %cond3A_295 = arith.constant 0 : i32
      %cond3A_296 = arith.cmpi ne, %convert_element_type3A_294, %cond3A_295 : i32
      scf.if %cond3A_296 {
        %dma_wait3A_321 = arith.constant 0 : i32
        %dma_wait3A_322 = arith.constant 0 : i32
        %dma_wait3A_323 = tpu.memref_slice %arg12[%dma_wait3A_321, %dma_wait3A_322] : memref<4096x128xf32, #tpu.memory_space<vmem_shared>> -> memref<4096x128xf32, #tpu.memory_space<vmem_shared>>
        tpu.wait_indirect_dma semaphore(%arg27 : memref<!tpu.dma_semaphore, #tpu.memory_space<semaphore_mem>>) src(%dma_wait3A_323 : memref<4096x128xf32, #tpu.memory_space<vmem_shared>>) dst(%arg17 : memref<128x128xf32, #tpu.memory_space<vmem>>)
        %mul3A_324 = arith.constant 32 : i32
        %mul3A_325 = arith.muli %add3A_292, %mul3A_324 : i32
        %add3A_326 = arith.addi %add3A_88, %mul3A_325 : i32
        %mul3A_327 = arith.constant 128 : i32
        %mul3A_328 = arith.muli %add3A_326, %mul3A_327 : i32
        %dma_start3A_329 = arith.constant 0 : i32
        %dma_start3A_330 = tpu.memref_slice %arg5[%mul3A_328, %dma_start3A_329] : memref<100000x128xf32, #tpu.memory_space<hbm>> -> memref<128x128xf32, #tpu.memory_space<hbm>>
        %dma_start3A_331 = arith.constant 0 : i32
        %dma_start3A_332 = tpu.memref_slice %arg5[%mul3A_328, %dma_start3A_331] : memref<100000x128xf32, #tpu.memory_space<hbm>> -> memref<128x128xf32, #tpu.memory_space<hbm>>
        tpu.enqueue_dma source(%arg17 : memref<128x128xf32, #tpu.memory_space<vmem>>) target(%dma_start3A_332 : memref<128x128xf32, #tpu.memory_space<hbm>>) target_semaphore(%arg31 : memref<!tpu.dma_semaphore, #tpu.memory_space<semaphore_mem>>)
        %add3A_333 = arith.constant 2 : i32
        %add3A_334 = arith.addi %add3A_292, %add3A_333 : i32
        %lt3A_335 = arith.cmpi slt, %add3A_334, %add3A_95 : i32
        %convert_element_type3A_336 = arith.extui %lt3A_335 : i1 to i32
        %cond3A_337 = arith.constant 0 : i32
        %cond3A_338 = arith.cmpi ne, %convert_element_type3A_336, %cond3A_337 : i32
        scf.if %cond3A_338 {
          %ge3A_345 = arith.constant 2 : i32
          %ge3A_346 = arith.cmpi sge, %add3A_292, %ge3A_345 : i32
          %convert_element_type3A_347 = arith.extui %ge3A_346 : i1 to i32
          %cond3A_348 = arith.constant 0 : i32
          %cond3A_349 = arith.cmpi ne, %convert_element_type3A_347, %cond3A_348 : i32
          scf.if %cond3A_349 {
            %sub3A_368 = arith.constant 2 : i32
            %sub3A_369 = arith.subi %add3A_292, %sub3A_368 : i32
            %mul3A_370 = arith.constant 32 : i32
            %mul3A_371 = arith.muli %sub3A_369, %mul3A_370 : i32
            %add3A_372 = arith.addi %add3A_88, %mul3A_371 : i32
            %mul3A_373 = arith.constant 128 : i32
            %mul3A_374 = arith.muli %add3A_372, %mul3A_373 : i32
            %dma_wait3A_375 = arith.constant 0 : i32
            %dma_wait3A_376 = tpu.memref_slice %arg5[%mul3A_374, %dma_wait3A_375] : memref<100000x128xf32, #tpu.memory_space<hbm>> -> memref<128x128xf32, #tpu.memory_space<hbm>>
            %dma_wait3A_377 = arith.constant 0 : i32
            %dma_wait3A_378 = tpu.memref_slice %arg5[%mul3A_374, %dma_wait3A_377] : memref<100000x128xf32, #tpu.memory_space<hbm>> -> memref<128x128xf32, #tpu.memory_space<hbm>>
            tpu.wait_dma2 semaphore(%arg33 : memref<!tpu.dma_semaphore, #tpu.memory_space<semaphore_mem>>) src(%arg19 : memref<128x128xf32, #tpu.memory_space<vmem>>) dst(%dma_wait3A_378 : memref<128x128xf32, #tpu.memory_space<hbm>>)
          } else {
          }
          %add3A_350 = arith.constant 2 : i32
          %add3A_351 = arith.addi %add3A_292, %add3A_350 : i32
          %mul3A_352 = arith.constant 32 : i32
          %mul3A_353 = arith.muli %add3A_351, %mul3A_352 : i32
          %add3A_354 = arith.addi %add3A_88, %mul3A_353 : i32
          %mul3A_355 = arith.constant 128 : i32
          %mul3A_356 = arith.muli %add3A_354, %mul3A_355 : i32
          %dma_start3A_357 = tpu.memref_slice %arg3[%mul3A_356] : memref<100000xi32, #tpu.memory_space<hbm>> -> memref<128xi32, #tpu.memory_space<hbm>>
          %dma_start3A_358 = tpu.memref_slice %arg3[%mul3A_356] : memref<100000xi32, #tpu.memory_space<hbm>> -> memref<128xi32, #tpu.memory_space<hbm>>
          tpu.enqueue_dma source(%dma_start3A_358 : memref<128xi32, #tpu.memory_space<hbm>>) target(%arg13 : memref<128xi32, #tpu.memory_space<vmem>>) target_semaphore(%arg21 : memref<!tpu.dma_semaphore, #tpu.memory_space<semaphore_mem>>)
          %mul3A_359 = arith.constant 32 : i32
          %mul3A_360 = arith.muli %add3A_351, %mul3A_359 : i32
          %add3A_361 = arith.addi %add3A_88, %mul3A_360 : i32
          %mul3A_362 = arith.constant 128 : i32
          %mul3A_363 = arith.muli %add3A_361, %mul3A_362 : i32
          %dma_start3A_364 = arith.constant 0 : i32
          %dma_start3A_365 = tpu.memref_slice %arg2[%mul3A_363, %dma_start3A_364] : memref<100000x128xf32, #tpu.memory_space<hbm>> -> memref<128x128xf32, #tpu.memory_space<hbm>>
          %dma_start3A_366 = arith.constant 0 : i32
          %dma_start3A_367 = tpu.memref_slice %arg2[%mul3A_363, %dma_start3A_366] : memref<100000x128xf32, #tpu.memory_space<hbm>> -> memref<128x128xf32, #tpu.memory_space<hbm>>
          tpu.enqueue_dma source(%dma_start3A_367 : memref<128x128xf32, #tpu.memory_space<hbm>>) target(%arg19 : memref<128x128xf32, #tpu.memory_space<vmem>>) target_semaphore(%arg25 : memref<!tpu.dma_semaphore, #tpu.memory_space<semaphore_mem>>)
        } else {
        }
        %add3A_339 = arith.constant 1 : i32
        %add3A_340 = arith.addi %add3A_292, %add3A_339 : i32
        %lt3A_341 = arith.cmpi slt, %add3A_340, %add3A_95 : i32
        %convert_element_type3A_342 = arith.extui %lt3A_341 : i1 to i32
        %cond3A_343 = arith.constant 0 : i32
        %cond3A_344 = arith.cmpi ne, %convert_element_type3A_342, %cond3A_343 : i32
        scf.if %cond3A_344 {
          %add3A_345 = arith.constant 1 : i32
          %add3A_346 = arith.addi %add3A_292, %add3A_345 : i32
          %mul3A_347 = arith.constant 32 : i32
          %mul3A_348 = arith.muli %add3A_346, %mul3A_347 : i32
          %add3A_349 = arith.addi %add3A_88, %mul3A_348 : i32
          %mul3A_350 = arith.constant 128 : i32
          %mul3A_351 = arith.muli %add3A_349, %mul3A_350 : i32
          %dma_wait3A_352 = tpu.memref_slice %arg3[%mul3A_351] : memref<100000xi32, #tpu.memory_space<hbm>> -> memref<128xi32, #tpu.memory_space<hbm>>
          %dma_wait3A_353 = tpu.memref_slice %arg3[%mul3A_351] : memref<100000xi32, #tpu.memory_space<hbm>> -> memref<128xi32, #tpu.memory_space<hbm>>
          tpu.wait_dma2 semaphore(%arg22 : memref<!tpu.dma_semaphore, #tpu.memory_space<semaphore_mem>>) src(%dma_wait3A_353 : memref<128xi32, #tpu.memory_space<hbm>>) dst(%arg14 : memref<128xi32, #tpu.memory_space<vmem>>)
          %mul3A_354 = arith.constant 32 : i32
          %mul3A_355 = arith.muli %add3A_346, %mul3A_354 : i32
          %add3A_356 = arith.addi %add3A_88, %mul3A_355 : i32
          %mul3A_357 = arith.constant 128 : i32
          %mul3A_358 = arith.muli %add3A_356, %mul3A_357 : i32
          %get3A_359 = arith.constant 0 : index
          %get3A_360 = tpu.vector_load %arg14[%get3A_359] {strides = array<i32>} : memref<128xi32, #tpu.memory_space<vmem>>, vector<16xi32>,
          %gather3A_361 = tpu.vector_load_idx %arg10[%get3A_360] : memref<64xi32, #tpu.memory_space<vmem>>[vector<16xi32>], vector<16xi32>,
          %add3A_362 = arith.constant 0 : i32
          %add3A_363 = arith.addi %mul3A_358, %add3A_362 : i32
          %add3A_364 = vector.broadcast %add3A_363 : i32 to vector<16xi32>
          %add3A_365 = arith.addi %add3A_364, %iota3A : vector<16xi32>
          %sub3A_366 = arith.subi %add3A_365, %gather3A_361 : vector<16xi32>
          %add3A_367 = arith.constant 1 : i32
          %add3A_368 = vector.broadcast %add3A_367 : i32 to vector<16xi32>
          %add3A_369 = arith.addi %sub3A_366, %add3A_368 : vector<16xi32>
          %min3A_370 = arith.constant 4095 : i32
          %min3A_371 = vector.broadcast %min3A_370 : i32 to vector<16xi32>
          %min3A_372 = arith.minsi %add3A_369, %min3A_371 : vector<16xi32>
          %swap3A_373 = arith.constant 0 : index
          %swap3A_374 = tpu.vector_load %arg16[%swap3A_373] {strides = array<i32>} : memref<128xi32, #tpu.memory_space<vmem>>, vector<16xi32>,
          tpu.vector_store %arg16[%swap3A_373], %min3A_372 {strides = array<i32>} : memref<128xi32, #tpu.memory_space<vmem>>, vector<16xi32>,
          %get3A_375 = arith.constant 16 : index
          %get3A_376 = tpu.vector_load %arg14[%get3A_375] {strides = array<i32>} : memref<128xi32, #tpu.memory_space<vmem>>, vector<16xi32>,
          %gather3A_377 = tpu.vector_load_idx %arg10[%get3A_376] : memref<64xi32, #tpu.memory_space<vmem>>[vector<16xi32>], vector<16xi32>,
          %add3A_378 = arith.constant 16 : i32
          %add3A_379 = arith.addi %mul3A_358, %add3A_378 : i32
          %add3A_380 = vector.broadcast %add3A_379 : i32 to vector<16xi32>
          %add3A_381 = arith.addi %add3A_380, %iota3A : vector<16xi32>
          %sub3A_382 = arith.subi %add3A_381, %gather3A_377 : vector<16xi32>
          %add3A_383 = arith.constant 1 : i32
          %add3A_384 = vector.broadcast %add3A_383 : i32 to vector<16xi32>
          %add3A_385 = arith.addi %sub3A_382, %add3A_384 : vector<16xi32>
          %min3A_386 = arith.constant 4095 : i32
          %min3A_387 = vector.broadcast %min3A_386 : i32 to vector<16xi32>
          %min3A_388 = arith.minsi %add3A_385, %min3A_387 : vector<16xi32>
          %swap3A_389 = arith.constant 16 : index
          %swap3A_390 = tpu.vector_load %arg16[%swap3A_389] {strides = array<i32>} : memref<128xi32, #tpu.memory_space<vmem>>, vector<16xi32>,
          tpu.vector_store %arg16[%swap3A_389], %min3A_388 {strides = array<i32>} : memref<128xi32, #tpu.memory_space<vmem>>, vector<16xi32>,
          %get3A_391 = arith.constant 32 : index
          %get3A_392 = tpu.vector_load %arg14[%get3A_391] {strides = array<i32>} : memref<128xi32, #tpu.memory_space<vmem>>, vector<16xi32>,
          %gather3A_393 = tpu.vector_load_idx %arg10[%get3A_392] : memref<64xi32, #tpu.memory_space<vmem>>[vector<16xi32>], vector<16xi32>,
          %add3A_394 = arith.constant 32 : i32
          %add3A_395 = arith.addi %mul3A_358, %add3A_394 : i32
          %add3A_396 = vector.broadcast %add3A_395 : i32 to vector<16xi32>
          %add3A_397 = arith.addi %add3A_396, %iota3A : vector<16xi32>
          %sub3A_398 = arith.subi %add3A_397, %gather3A_393 : vector<16xi32>
          %add3A_399 = arith.constant 1 : i32
          %add3A_400 = vector.broadcast %add3A_399 : i32 to vector<16xi32>
          %add3A_401 = arith.addi %sub3A_398, %add3A_400 : vector<16xi32>
          %min3A_402 = arith.constant 4095 : i32
          %min3A_403 = vector.broadcast %min3A_402 : i32 to vector<16xi32>
          %min3A_404 = arith.minsi %add3A_401, %min3A_403 : vector<16xi32>
          %swap3A_405 = arith.constant 32 : index
          %swap3A_406 = tpu.vector_load %arg16[%swap3A_405] {strides = array<i32>} : memref<128xi32, #tpu.memory_space<vmem>>, vector<16xi32>,
          tpu.vector_store %arg16[%swap3A_405], %min3A_404 {strides = array<i32>} : memref<128xi32, #tpu.memory_space<vmem>>, vector<16xi32>,
          %get3A_407 = arith.constant 48 : index
          %get3A_408 = tpu.vector_load %arg14[%get3A_407] {strides = array<i32>} : memref<128xi32, #tpu.memory_space<vmem>>, vector<16xi32>,
          %gather3A_409 = tpu.vector_load_idx %arg10[%get3A_408] : memref<64xi32, #tpu.memory_space<vmem>>[vector<16xi32>], vector<16xi32>,
          %add3A_410 = arith.constant 48 : i32
          %add3A_411 = arith.addi %mul3A_358, %add3A_410 : i32
          %add3A_412 = vector.broadcast %add3A_411 : i32 to vector<16xi32>
          %add3A_413 = arith.addi %add3A_412, %iota3A : vector<16xi32>
          %sub3A_414 = arith.subi %add3A_413, %gather3A_409 : vector<16xi32>
          %add3A_415 = arith.constant 1 : i32
          %add3A_416 = vector.broadcast %add3A_415 : i32 to vector<16xi32>
          %add3A_417 = arith.addi %sub3A_414, %add3A_416 : vector<16xi32>
          %min3A_418 = arith.constant 4095 : i32
          %min3A_419 = vector.broadcast %min3A_418 : i32 to vector<16xi32>
          %min3A_420 = arith.minsi %add3A_417, %min3A_419 : vector<16xi32>
          %swap3A_421 = arith.constant 48 : index
          %swap3A_422 = tpu.vector_load %arg16[%swap3A_421] {strides = array<i32>} : memref<128xi32, #tpu.memory_space<vmem>>, vector<16xi32>,
          tpu.vector_store %arg16[%swap3A_421], %min3A_420 {strides = array<i32>} : memref<128xi32, #tpu.memory_space<vmem>>, vector<16xi32>,
          %get3A_423 = arith.constant 64 : index
          %get3A_424 = tpu.vector_load %arg14[%get3A_423] {strides = array<i32>} : memref<128xi32, #tpu.memory_space<vmem>>, vector<16xi32>,
          %gather3A_425 = tpu.vector_load_idx %arg10[%get3A_424] : memref<64xi32, #tpu.memory_space<vmem>>[vector<16xi32>], vector<16xi32>,
          %add3A_426 = arith.constant 64 : i32
          %add3A_427 = arith.addi %mul3A_358, %add3A_426 : i32
          %add3A_428 = vector.broadcast %add3A_427 : i32 to vector<16xi32>
          %add3A_429 = arith.addi %add3A_428, %iota3A : vector<16xi32>
          %sub3A_430 = arith.subi %add3A_429, %gather3A_425 : vector<16xi32>
          %add3A_431 = arith.constant 1 : i32
          %add3A_432 = vector.broadcast %add3A_431 : i32 to vector<16xi32>
          %add3A_433 = arith.addi %sub3A_430, %add3A_432 : vector<16xi32>
          %min3A_434 = arith.constant 4095 : i32
          %min3A_435 = vector.broadcast %min3A_434 : i32 to vector<16xi32>
          %min3A_436 = arith.minsi %add3A_433, %min3A_435 : vector<16xi32>
          %swap3A_437 = arith.constant 64 : index
          %swap3A_438 = tpu.vector_load %arg16[%swap3A_437] {strides = array<i32>} : memref<128xi32, #tpu.memory_space<vmem>>, vector<16xi32>,
          tpu.vector_store %arg16[%swap3A_437], %min3A_436 {strides = array<i32>} : memref<128xi32, #tpu.memory_space<vmem>>, vector<16xi32>,
          %get3A_439 = arith.constant 80 : index
          %get3A_440 = tpu.vector_load %arg14[%get3A_439] {strides = array<i32>} : memref<128xi32, #tpu.memory_space<vmem>>, vector<16xi32>,
          %gather3A_441 = tpu.vector_load_idx %arg10[%get3A_440] : memref<64xi32, #tpu.memory_space<vmem>>[vector<16xi32>], vector<16xi32>,
          %add3A_442 = arith.constant 80 : i32
          %add3A_443 = arith.addi %mul3A_358, %add3A_442 : i32
          %add3A_444 = vector.broadcast %add3A_443 : i32 to vector<16xi32>
          %add3A_445 = arith.addi %add3A_444, %iota3A : vector<16xi32>
          %sub3A_446 = arith.subi %add3A_445, %gather3A_441 : vector<16xi32>
          %add3A_447 = arith.constant 1 : i32
          %add3A_448 = vector.broadcast %add3A_447 : i32 to vector<16xi32>
          %add3A_449 = arith.addi %sub3A_446, %add3A_448 : vector<16xi32>
          %min3A_450 = arith.constant 4095 : i32
          %min3A_451 = vector.broadcast %min3A_450 : i32 to vector<16xi32>
          %min3A_452 = arith.minsi %add3A_449, %min3A_451 : vector<16xi32>
          %swap3A_453 = arith.constant 80 : index
          %swap3A_454 = tpu.vector_load %arg16[%swap3A_453] {strides = array<i32>} : memref<128xi32, #tpu.memory_space<vmem>>, vector<16xi32>,
          tpu.vector_store %arg16[%swap3A_453], %min3A_452 {strides = array<i32>} : memref<128xi32, #tpu.memory_space<vmem>>, vector<16xi32>,
          %get3A_455 = arith.constant 96 : index
          %get3A_456 = tpu.vector_load %arg14[%get3A_455] {strides = array<i32>} : memref<128xi32, #tpu.memory_space<vmem>>, vector<16xi32>,
          %gather3A_457 = tpu.vector_load_idx %arg10[%get3A_456] : memref<64xi32, #tpu.memory_space<vmem>>[vector<16xi32>], vector<16xi32>,
          %add3A_458 = arith.constant 96 : i32
          %add3A_459 = arith.addi %mul3A_358, %add3A_458 : i32
          %add3A_460 = vector.broadcast %add3A_459 : i32 to vector<16xi32>
          %add3A_461 = arith.addi %add3A_460, %iota3A : vector<16xi32>
          %sub3A_462 = arith.subi %add3A_461, %gather3A_457 : vector<16xi32>
          %add3A_463 = arith.constant 1 : i32
          %add3A_464 = vector.broadcast %add3A_463 : i32 to vector<16xi32>
          %add3A_465 = arith.addi %sub3A_462, %add3A_464 : vector<16xi32>
          %min3A_466 = arith.constant 4095 : i32
          %min3A_467 = vector.broadcast %min3A_466 : i32 to vector<16xi32>
          %min3A_468 = arith.minsi %add3A_465, %min3A_467 : vector<16xi32>
          %swap3A_469 = arith.constant 96 : index
          %swap3A_470 = tpu.vector_load %arg16[%swap3A_469] {strides = array<i32>} : memref<128xi32, #tpu.memory_space<vmem>>, vector<16xi32>,
          tpu.vector_store %arg16[%swap3A_469], %min3A_468 {strides = array<i32>} : memref<128xi32, #tpu.memory_space<vmem>>, vector<16xi32>,
          %get3A_471 = arith.constant 112 : index
          %get3A_472 = tpu.vector_load %arg14[%get3A_471] {strides = array<i32>} : memref<128xi32, #tpu.memory_space<vmem>>, vector<16xi32>,
          %gather3A_473 = tpu.vector_load_idx %arg10[%get3A_472] : memref<64xi32, #tpu.memory_space<vmem>>[vector<16xi32>], vector<16xi32>,
          %add3A_474 = arith.constant 112 : i32
          %add3A_475 = arith.addi %mul3A_358, %add3A_474 : i32
          %add3A_476 = vector.broadcast %add3A_475 : i32 to vector<16xi32>
          %add3A_477 = arith.addi %add3A_476, %iota3A : vector<16xi32>
          %sub3A_478 = arith.subi %add3A_477, %gather3A_473 : vector<16xi32>
          %add3A_479 = arith.constant 1 : i32
          %add3A_480 = vector.broadcast %add3A_479 : i32 to vector<16xi32>
          %add3A_481 = arith.addi %sub3A_478, %add3A_480 : vector<16xi32>
          %min3A_482 = arith.constant 4095 : i32
          %min3A_483 = vector.broadcast %min3A_482 : i32 to vector<16xi32>
          %min3A_484 = arith.minsi %add3A_481, %min3A_483 : vector<16xi32>
          %swap3A_485 = arith.constant 112 : index
          %swap3A_486 = tpu.vector_load %arg16[%swap3A_485] {strides = array<i32>} : memref<128xi32, #tpu.memory_space<vmem>>, vector<16xi32>,
          tpu.vector_store %arg16[%swap3A_485], %min3A_484 {strides = array<i32>} : memref<128xi32, #tpu.memory_space<vmem>>, vector<16xi32>,
          %add3A_487 = arith.constant 1 : i32
          %add3A_488 = arith.addi %add3A_292, %add3A_487 : i32
          %mul3A_489 = arith.constant 32 : i32
          %mul3A_490 = arith.muli %add3A_488, %mul3A_489 : i32
          %add3A_491 = arith.addi %add3A_88, %mul3A_490 : i32
          %mul3A_492 = arith.constant 128 : i32
          %mul3A_493 = arith.muli %add3A_491, %mul3A_492 : i32
          %dma_wait3A_494 = arith.constant 0 : i32
          %dma_wait3A_495 = tpu.memref_slice %arg2[%mul3A_493, %dma_wait3A_494] : memref<100000x128xf32, #tpu.memory_space<hbm>> -> memref<128x128xf32, #tpu.memory_space<hbm>>
          %dma_wait3A_496 = arith.constant 0 : i32
          %dma_wait3A_497 = tpu.memref_slice %arg2[%mul3A_493, %dma_wait3A_496] : memref<100000x128xf32, #tpu.memory_space<hbm>> -> memref<128x128xf32, #tpu.memory_space<hbm>>
          tpu.wait_dma2 semaphore(%arg24 : memref<!tpu.dma_semaphore, #tpu.memory_space<semaphore_mem>>) src(%dma_wait3A_497 : memref<128x128xf32, #tpu.memory_space<hbm>>) dst(%arg18 : memref<128x128xf32, #tpu.memory_space<vmem>>)
          %dma_start3A_498 = arith.constant 0 : i32
          %dma_start3A_499 = arith.constant 0 : i32
          %dma_start3A_500 = tpu.memref_slice %arg12[%dma_start3A_498, %dma_start3A_499] : memref<4096x128xf32, #tpu.memory_space<vmem_shared>> -> memref<4096x128xf32, #tpu.memory_space<vmem_shared>>
          tpu.enqueue_indirect_dma source(%dma_start3A_500 : memref<4096x128xf32, #tpu.memory_space<vmem_shared>>) target(%arg18 : memref<128x128xf32, #tpu.memory_space<vmem>>) offsets(%arg16 : memref<128xi32, #tpu.memory_space<vmem>>) semaphore(%arg28 : memref<!tpu.dma_semaphore, #tpu.memory_space<semaphore_mem>>) {add = true}
        } else {
        }
      } else {
      }
      %mul3A_297 = arith.constant 4 : i32
      %mul3A_298 = arith.muli %mul3A_297, %scan3A_288 : i32
      %add3A_299 = arith.constant 1 : i32
      %add3A_300 = arith.addi %mul3A_298, %add3A_299 : i32
      %lt3A_301 = arith.cmpi slt, %add3A_300, %add3A_95 : i32
      %convert_element_type3A_302 = arith.extui %lt3A_301 : i1 to i32
      %cond3A_303 = arith.constant 0 : i32
      %cond3A_304 = arith.cmpi ne, %convert_element_type3A_302, %cond3A_303 : i32
      scf.if %cond3A_304 {
        %dma_wait3A_321 = arith.constant 0 : i32
        %dma_wait3A_322 = arith.constant 0 : i32
        %dma_wait3A_323 = tpu.memref_slice %arg12[%dma_wait3A_321, %dma_wait3A_322] : memref<4096x128xf32, #tpu.memory_space<vmem_shared>> -> memref<4096x128xf32, #tpu.memory_space<vmem_shared>>
        tpu.wait_indirect_dma semaphore(%arg28 : memref<!tpu.dma_semaphore, #tpu.memory_space<semaphore_mem>>) src(%dma_wait3A_323 : memref<4096x128xf32, #tpu.memory_space<vmem_shared>>) dst(%arg18 : memref<128x128xf32, #tpu.memory_space<vmem>>)
        %mul3A_324 = arith.constant 32 : i32
        %mul3A_325 = arith.muli %add3A_300, %mul3A_324 : i32
        %add3A_326 = arith.addi %add3A_88, %mul3A_325 : i32
        %mul3A_327 = arith.constant 128 : i32
        %mul3A_328 = arith.muli %add3A_326, %mul3A_327 : i32
        %dma_start3A_329 = arith.constant 0 : i32
        %dma_start3A_330 = tpu.memref_slice %arg5[%mul3A_328, %dma_start3A_329] : memref<100000x128xf32, #tpu.memory_space<hbm>> -> memref<128x128xf32, #tpu.memory_space<hbm>>
        %dma_start3A_331 = arith.constant 0 : i32
        %dma_start3A_332 = tpu.memref_slice %arg5[%mul3A_328, %dma_start3A_331] : memref<100000x128xf32, #tpu.memory_space<hbm>> -> memref<128x128xf32, #tpu.memory_space<hbm>>
        tpu.enqueue_dma source(%arg18 : memref<128x128xf32, #tpu.memory_space<vmem>>) target(%dma_start3A_332 : memref<128x128xf32, #tpu.memory_space<hbm>>) target_semaphore(%arg32 : memref<!tpu.dma_semaphore, #tpu.memory_space<semaphore_mem>>)
        %add3A_333 = arith.constant 2 : i32
        %add3A_334 = arith.addi %add3A_300, %add3A_333 : i32
        %lt3A_335 = arith.cmpi slt, %add3A_334, %add3A_95 : i32
        %convert_element_type3A_336 = arith.extui %lt3A_335 : i1 to i32
        %cond3A_337 = arith.constant 0 : i32
        %cond3A_338 = arith.cmpi ne, %convert_element_type3A_336, %cond3A_337 : i32
        scf.if %cond3A_338 {
          %ge3A_345 = arith.constant 2 : i32
          %ge3A_346 = arith.cmpi sge, %add3A_300, %ge3A_345 : i32
          %convert_element_type3A_347 = arith.extui %ge3A_346 : i1 to i32
          %cond3A_348 = arith.constant 0 : i32
          %cond3A_349 = arith.cmpi ne, %convert_element_type3A_347, %cond3A_348 : i32
          scf.if %cond3A_349 {
            %sub3A_368 = arith.constant 2 : i32
            %sub3A_369 = arith.subi %add3A_300, %sub3A_368 : i32
            %mul3A_370 = arith.constant 32 : i32
            %mul3A_371 = arith.muli %sub3A_369, %mul3A_370 : i32
            %add3A_372 = arith.addi %add3A_88, %mul3A_371 : i32
            %mul3A_373 = arith.constant 128 : i32
            %mul3A_374 = arith.muli %add3A_372, %mul3A_373 : i32
            %dma_wait3A_375 = arith.constant 0 : i32
            %dma_wait3A_376 = tpu.memref_slice %arg5[%mul3A_374, %dma_wait3A_375] : memref<100000x128xf32, #tpu.memory_space<hbm>> -> memref<128x128xf32, #tpu.memory_space<hbm>>
            %dma_wait3A_377 = arith.constant 0 : i32
            %dma_wait3A_378 = tpu.memref_slice %arg5[%mul3A_374, %dma_wait3A_377] : memref<100000x128xf32, #tpu.memory_space<hbm>> -> memref<128x128xf32, #tpu.memory_space<hbm>>
            tpu.wait_dma2 semaphore(%arg34 : memref<!tpu.dma_semaphore, #tpu.memory_space<semaphore_mem>>) src(%arg20 : memref<128x128xf32, #tpu.memory_space<vmem>>) dst(%dma_wait3A_378 : memref<128x128xf32, #tpu.memory_space<hbm>>)
          } else {
          }
          %add3A_350 = arith.constant 2 : i32
          %add3A_351 = arith.addi %add3A_300, %add3A_350 : i32
          %mul3A_352 = arith.constant 32 : i32
          %mul3A_353 = arith.muli %add3A_351, %mul3A_352 : i32
          %add3A_354 = arith.addi %add3A_88, %mul3A_353 : i32
          %mul3A_355 = arith.constant 128 : i32
          %mul3A_356 = arith.muli %add3A_354, %mul3A_355 : i32
          %dma_start3A_357 = tpu.memref_slice %arg3[%mul3A_356] : memref<100000xi32, #tpu.memory_space<hbm>> -> memref<128xi32, #tpu.memory_space<hbm>>
          %dma_start3A_358 = tpu.memref_slice %arg3[%mul3A_356] : memref<100000xi32, #tpu.memory_space<hbm>> -> memref<128xi32, #tpu.memory_space<hbm>>
          tpu.enqueue_dma source(%dma_start3A_358 : memref<128xi32, #tpu.memory_space<hbm>>) target(%arg14 : memref<128xi32, #tpu.memory_space<vmem>>) target_semaphore(%arg22 : memref<!tpu.dma_semaphore, #tpu.memory_space<semaphore_mem>>)
          %mul3A_359 = arith.constant 32 : i32
          %mul3A_360 = arith.muli %add3A_351, %mul3A_359 : i32
          %add3A_361 = arith.addi %add3A_88, %mul3A_360 : i32
          %mul3A_362 = arith.constant 128 : i32
          %mul3A_363 = arith.muli %add3A_361, %mul3A_362 : i32
          %dma_start3A_364 = arith.constant 0 : i32
          %dma_start3A_365 = tpu.memref_slice %arg2[%mul3A_363, %dma_start3A_364] : memref<100000x128xf32, #tpu.memory_space<hbm>> -> memref<128x128xf32, #tpu.memory_space<hbm>>
          %dma_start3A_366 = arith.constant 0 : i32
          %dma_start3A_367 = tpu.memref_slice %arg2[%mul3A_363, %dma_start3A_366] : memref<100000x128xf32, #tpu.memory_space<hbm>> -> memref<128x128xf32, #tpu.memory_space<hbm>>
          tpu.enqueue_dma source(%dma_start3A_367 : memref<128x128xf32, #tpu.memory_space<hbm>>) target(%arg20 : memref<128x128xf32, #tpu.memory_space<vmem>>) target_semaphore(%arg26 : memref<!tpu.dma_semaphore, #tpu.memory_space<semaphore_mem>>)
        } else {
        }
        %add3A_339 = arith.constant 1 : i32
        %add3A_340 = arith.addi %add3A_300, %add3A_339 : i32
        %lt3A_341 = arith.cmpi slt, %add3A_340, %add3A_95 : i32
        %convert_element_type3A_342 = arith.extui %lt3A_341 : i1 to i32
        %cond3A_343 = arith.constant 0 : i32
        %cond3A_344 = arith.cmpi ne, %convert_element_type3A_342, %cond3A_343 : i32
        scf.if %cond3A_344 {
          %add3A_345 = arith.constant 1 : i32
          %add3A_346 = arith.addi %add3A_300, %add3A_345 : i32
          %mul3A_347 = arith.constant 32 : i32
          %mul3A_348 = arith.muli %add3A_346, %mul3A_347 : i32
          %add3A_349 = arith.addi %add3A_88, %mul3A_348 : i32
          %mul3A_350 = arith.constant 128 : i32
          %mul3A_351 = arith.muli %add3A_349, %mul3A_350 : i32
          %dma_wait3A_352 = tpu.memref_slice %arg3[%mul3A_351] : memref<100000xi32, #tpu.memory_space<hbm>> -> memref<128xi32, #tpu.memory_space<hbm>>
          %dma_wait3A_353 = tpu.memref_slice %arg3[%mul3A_351] : memref<100000xi32, #tpu.memory_space<hbm>> -> memref<128xi32, #tpu.memory_space<hbm>>
          tpu.wait_dma2 semaphore(%arg21 : memref<!tpu.dma_semaphore, #tpu.memory_space<semaphore_mem>>) src(%dma_wait3A_353 : memref<128xi32, #tpu.memory_space<hbm>>) dst(%arg13 : memref<128xi32, #tpu.memory_space<vmem>>)
          %mul3A_354 = arith.constant 32 : i32
          %mul3A_355 = arith.muli %add3A_346, %mul3A_354 : i32
          %add3A_356 = arith.addi %add3A_88, %mul3A_355 : i32
          %mul3A_357 = arith.constant 128 : i32
          %mul3A_358 = arith.muli %add3A_356, %mul3A_357 : i32
          %get3A_359 = arith.constant 0 : index
          %get3A_360 = tpu.vector_load %arg13[%get3A_359] {strides = array<i32>} : memref<128xi32, #tpu.memory_space<vmem>>, vector<16xi32>,
          %gather3A_361 = tpu.vector_load_idx %arg10[%get3A_360] : memref<64xi32, #tpu.memory_space<vmem>>[vector<16xi32>], vector<16xi32>,
          %add3A_362 = arith.constant 0 : i32
          %add3A_363 = arith.addi %mul3A_358, %add3A_362 : i32
          %add3A_364 = vector.broadcast %add3A_363 : i32 to vector<16xi32>
          %add3A_365 = arith.addi %add3A_364, %iota3A : vector<16xi32>
          %sub3A_366 = arith.subi %add3A_365, %gather3A_361 : vector<16xi32>
          %add3A_367 = arith.constant 1 : i32
          %add3A_368 = vector.broadcast %add3A_367 : i32 to vector<16xi32>
          %add3A_369 = arith.addi %sub3A_366, %add3A_368 : vector<16xi32>
          %min3A_370 = arith.constant 4095 : i32
          %min3A_371 = vector.broadcast %min3A_370 : i32 to vector<16xi32>
          %min3A_372 = arith.minsi %add3A_369, %min3A_371 : vector<16xi32>
          %swap3A_373 = arith.constant 0 : index
          %swap3A_374 = tpu.vector_load %arg15[%swap3A_373] {strides = array<i32>} : memref<128xi32, #tpu.memory_space<vmem>>, vector<16xi32>,
          tpu.vector_store %arg15[%swap3A_373], %min3A_372 {strides = array<i32>} : memref<128xi32, #tpu.memory_space<vmem>>, vector<16xi32>,
          %get3A_375 = arith.constant 16 : index
          %get3A_376 = tpu.vector_load %arg13[%get3A_375] {strides = array<i32>} : memref<128xi32, #tpu.memory_space<vmem>>, vector<16xi32>,
          %gather3A_377 = tpu.vector_load_idx %arg10[%get3A_376] : memref<64xi32, #tpu.memory_space<vmem>>[vector<16xi32>], vector<16xi32>,
          %add3A_378 = arith.constant 16 : i32
          %add3A_379 = arith.addi %mul3A_358, %add3A_378 : i32
          %add3A_380 = vector.broadcast %add3A_379 : i32 to vector<16xi32>
          %add3A_381 = arith.addi %add3A_380, %iota3A : vector<16xi32>
          %sub3A_382 = arith.subi %add3A_381, %gather3A_377 : vector<16xi32>
          %add3A_383 = arith.constant 1 : i32
          %add3A_384 = vector.broadcast %add3A_383 : i32 to vector<16xi32>
          %add3A_385 = arith.addi %sub3A_382, %add3A_384 : vector<16xi32>
          %min3A_386 = arith.constant 4095 : i32
          %min3A_387 = vector.broadcast %min3A_386 : i32 to vector<16xi32>
          %min3A_388 = arith.minsi %add3A_385, %min3A_387 : vector<16xi32>
          %swap3A_389 = arith.constant 16 : index
          %swap3A_390 = tpu.vector_load %arg15[%swap3A_389] {strides = array<i32>} : memref<128xi32, #tpu.memory_space<vmem>>, vector<16xi32>,
          tpu.vector_store %arg15[%swap3A_389], %min3A_388 {strides = array<i32>} : memref<128xi32, #tpu.memory_space<vmem>>, vector<16xi32>,
          %get3A_391 = arith.constant 32 : index
          %get3A_392 = tpu.vector_load %arg13[%get3A_391] {strides = array<i32>} : memref<128xi32, #tpu.memory_space<vmem>>, vector<16xi32>,
          %gather3A_393 = tpu.vector_load_idx %arg10[%get3A_392] : memref<64xi32, #tpu.memory_space<vmem>>[vector<16xi32>], vector<16xi32>,
          %add3A_394 = arith.constant 32 : i32
          %add3A_395 = arith.addi %mul3A_358, %add3A_394 : i32
          %add3A_396 = vector.broadcast %add3A_395 : i32 to vector<16xi32>
          %add3A_397 = arith.addi %add3A_396, %iota3A : vector<16xi32>
          %sub3A_398 = arith.subi %add3A_397, %gather3A_393 : vector<16xi32>
          %add3A_399 = arith.constant 1 : i32
          %add3A_400 = vector.broadcast %add3A_399 : i32 to vector<16xi32>
          %add3A_401 = arith.addi %sub3A_398, %add3A_400 : vector<16xi32>
          %min3A_402 = arith.constant 4095 : i32
          %min3A_403 = vector.broadcast %min3A_402 : i32 to vector<16xi32>
          %min3A_404 = arith.minsi %add3A_401, %min3A_403 : vector<16xi32>
          %swap3A_405 = arith.constant 32 : index
          %swap3A_406 = tpu.vector_load %arg15[%swap3A_405] {strides = array<i32>} : memref<128xi32, #tpu.memory_space<vmem>>, vector<16xi32>,
          tpu.vector_store %arg15[%swap3A_405], %min3A_404 {strides = array<i32>} : memref<128xi32, #tpu.memory_space<vmem>>, vector<16xi32>,
          %get3A_407 = arith.constant 48 : index
          %get3A_408 = tpu.vector_load %arg13[%get3A_407] {strides = array<i32>} : memref<128xi32, #tpu.memory_space<vmem>>, vector<16xi32>,
          %gather3A_409 = tpu.vector_load_idx %arg10[%get3A_408] : memref<64xi32, #tpu.memory_space<vmem>>[vector<16xi32>], vector<16xi32>,
          %add3A_410 = arith.constant 48 : i32
          %add3A_411 = arith.addi %mul3A_358, %add3A_410 : i32
          %add3A_412 = vector.broadcast %add3A_411 : i32 to vector<16xi32>
          %add3A_413 = arith.addi %add3A_412, %iota3A : vector<16xi32>
          %sub3A_414 = arith.subi %add3A_413, %gather3A_409 : vector<16xi32>
          %add3A_415 = arith.constant 1 : i32
          %add3A_416 = vector.broadcast %add3A_415 : i32 to vector<16xi32>
          %add3A_417 = arith.addi %sub3A_414, %add3A_416 : vector<16xi32>
          %min3A_418 = arith.constant 4095 : i32
          %min3A_419 = vector.broadcast %min3A_418 : i32 to vector<16xi32>
          %min3A_420 = arith.minsi %add3A_417, %min3A_419 : vector<16xi32>
          %swap3A_421 = arith.constant 48 : index
          %swap3A_422 = tpu.vector_load %arg15[%swap3A_421] {strides = array<i32>} : memref<128xi32, #tpu.memory_space<vmem>>, vector<16xi32>,
          tpu.vector_store %arg15[%swap3A_421], %min3A_420 {strides = array<i32>} : memref<128xi32, #tpu.memory_space<vmem>>, vector<16xi32>,
          %get3A_423 = arith.constant 64 : index
          %get3A_424 = tpu.vector_load %arg13[%get3A_423] {strides = array<i32>} : memref<128xi32, #tpu.memory_space<vmem>>, vector<16xi32>,
          %gather3A_425 = tpu.vector_load_idx %arg10[%get3A_424] : memref<64xi32, #tpu.memory_space<vmem>>[vector<16xi32>], vector<16xi32>,
          %add3A_426 = arith.constant 64 : i32
          %add3A_427 = arith.addi %mul3A_358, %add3A_426 : i32
          %add3A_428 = vector.broadcast %add3A_427 : i32 to vector<16xi32>
          %add3A_429 = arith.addi %add3A_428, %iota3A : vector<16xi32>
          %sub3A_430 = arith.subi %add3A_429, %gather3A_425 : vector<16xi32>
          %add3A_431 = arith.constant 1 : i32
          %add3A_432 = vector.broadcast %add3A_431 : i32 to vector<16xi32>
          %add3A_433 = arith.addi %sub3A_430, %add3A_432 : vector<16xi32>
          %min3A_434 = arith.constant 4095 : i32
          %min3A_435 = vector.broadcast %min3A_434 : i32 to vector<16xi32>
          %min3A_436 = arith.minsi %add3A_433, %min3A_435 : vector<16xi32>
          %swap3A_437 = arith.constant 64 : index
          %swap3A_438 = tpu.vector_load %arg15[%swap3A_437] {strides = array<i32>} : memref<128xi32, #tpu.memory_space<vmem>>, vector<16xi32>,
          tpu.vector_store %arg15[%swap3A_437], %min3A_436 {strides = array<i32>} : memref<128xi32, #tpu.memory_space<vmem>>, vector<16xi32>,
          %get3A_439 = arith.constant 80 : index
          %get3A_440 = tpu.vector_load %arg13[%get3A_439] {strides = array<i32>} : memref<128xi32, #tpu.memory_space<vmem>>, vector<16xi32>,
          %gather3A_441 = tpu.vector_load_idx %arg10[%get3A_440] : memref<64xi32, #tpu.memory_space<vmem>>[vector<16xi32>], vector<16xi32>,
          %add3A_442 = arith.constant 80 : i32
          %add3A_443 = arith.addi %mul3A_358, %add3A_442 : i32
          %add3A_444 = vector.broadcast %add3A_443 : i32 to vector<16xi32>
          %add3A_445 = arith.addi %add3A_444, %iota3A : vector<16xi32>
          %sub3A_446 = arith.subi %add3A_445, %gather3A_441 : vector<16xi32>
          %add3A_447 = arith.constant 1 : i32
          %add3A_448 = vector.broadcast %add3A_447 : i32 to vector<16xi32>
          %add3A_449 = arith.addi %sub3A_446, %add3A_448 : vector<16xi32>
          %min3A_450 = arith.constant 4095 : i32
          %min3A_451 = vector.broadcast %min3A_450 : i32 to vector<16xi32>
          %min3A_452 = arith.minsi %add3A_449, %min3A_451 : vector<16xi32>
          %swap3A_453 = arith.constant 80 : index
          %swap3A_454 = tpu.vector_load %arg15[%swap3A_453] {strides = array<i32>} : memref<128xi32, #tpu.memory_space<vmem>>, vector<16xi32>,
          tpu.vector_store %arg15[%swap3A_453], %min3A_452 {strides = array<i32>} : memref<128xi32, #tpu.memory_space<vmem>>, vector<16xi32>,
          %get3A_455 = arith.constant 96 : index
          %get3A_456 = tpu.vector_load %arg13[%get3A_455] {strides = array<i32>} : memref<128xi32, #tpu.memory_space<vmem>>, vector<16xi32>,
          %gather3A_457 = tpu.vector_load_idx %arg10[%get3A_456] : memref<64xi32, #tpu.memory_space<vmem>>[vector<16xi32>], vector<16xi32>,
          %add3A_458 = arith.constant 96 : i32
          %add3A_459 = arith.addi %mul3A_358, %add3A_458 : i32
          %add3A_460 = vector.broadcast %add3A_459 : i32 to vector<16xi32>
          %add3A_461 = arith.addi %add3A_460, %iota3A : vector<16xi32>
          %sub3A_462 = arith.subi %add3A_461, %gather3A_457 : vector<16xi32>
          %add3A_463 = arith.constant 1 : i32
          %add3A_464 = vector.broadcast %add3A_463 : i32 to vector<16xi32>
          %add3A_465 = arith.addi %sub3A_462, %add3A_464 : vector<16xi32>
          %min3A_466 = arith.constant 4095 : i32
          %min3A_467 = vector.broadcast %min3A_466 : i32 to vector<16xi32>
          %min3A_468 = arith.minsi %add3A_465, %min3A_467 : vector<16xi32>
          %swap3A_469 = arith.constant 96 : index
          %swap3A_470 = tpu.vector_load %arg15[%swap3A_469] {strides = array<i32>} : memref<128xi32, #tpu.memory_space<vmem>>, vector<16xi32>,
          tpu.vector_store %arg15[%swap3A_469], %min3A_468 {strides = array<i32>} : memref<128xi32, #tpu.memory_space<vmem>>, vector<16xi32>,
          %get3A_471 = arith.constant 112 : index
          %get3A_472 = tpu.vector_load %arg13[%get3A_471] {strides = array<i32>} : memref<128xi32, #tpu.memory_space<vmem>>, vector<16xi32>,
          %gather3A_473 = tpu.vector_load_idx %arg10[%get3A_472] : memref<64xi32, #tpu.memory_space<vmem>>[vector<16xi32>], vector<16xi32>,
          %add3A_474 = arith.constant 112 : i32
          %add3A_475 = arith.addi %mul3A_358, %add3A_474 : i32
          %add3A_476 = vector.broadcast %add3A_475 : i32 to vector<16xi32>
          %add3A_477 = arith.addi %add3A_476, %iota3A : vector<16xi32>
          %sub3A_478 = arith.subi %add3A_477, %gather3A_473 : vector<16xi32>
          %add3A_479 = arith.constant 1 : i32
          %add3A_480 = vector.broadcast %add3A_479 : i32 to vector<16xi32>
          %add3A_481 = arith.addi %sub3A_478, %add3A_480 : vector<16xi32>
          %min3A_482 = arith.constant 4095 : i32
          %min3A_483 = vector.broadcast %min3A_482 : i32 to vector<16xi32>
          %min3A_484 = arith.minsi %add3A_481, %min3A_483 : vector<16xi32>
          %swap3A_485 = arith.constant 112 : index
          %swap3A_486 = tpu.vector_load %arg15[%swap3A_485] {strides = array<i32>} : memref<128xi32, #tpu.memory_space<vmem>>, vector<16xi32>,
          tpu.vector_store %arg15[%swap3A_485], %min3A_484 {strides = array<i32>} : memref<128xi32, #tpu.memory_space<vmem>>, vector<16xi32>,
          %add3A_487 = arith.constant 1 : i32
          %add3A_488 = arith.addi %add3A_300, %add3A_487 : i32
          %mul3A_489 = arith.constant 32 : i32
          %mul3A_490 = arith.muli %add3A_488, %mul3A_489 : i32
          %add3A_491 = arith.addi %add3A_88, %mul3A_490 : i32
          %mul3A_492 = arith.constant 128 : i32
          %mul3A_493 = arith.muli %add3A_491, %mul3A_492 : i32
          %dma_wait3A_494 = arith.constant 0 : i32
          %dma_wait3A_495 = tpu.memref_slice %arg2[%mul3A_493, %dma_wait3A_494] : memref<100000x128xf32, #tpu.memory_space<hbm>> -> memref<128x128xf32, #tpu.memory_space<hbm>>
          %dma_wait3A_496 = arith.constant 0 : i32
          %dma_wait3A_497 = tpu.memref_slice %arg2[%mul3A_493, %dma_wait3A_496] : memref<100000x128xf32, #tpu.memory_space<hbm>> -> memref<128x128xf32, #tpu.memory_space<hbm>>
          tpu.wait_dma2 semaphore(%arg25 : memref<!tpu.dma_semaphore, #tpu.memory_space<semaphore_mem>>) src(%dma_wait3A_497 : memref<128x128xf32, #tpu.memory_space<hbm>>) dst(%arg19 : memref<128x128xf32, #tpu.memory_space<vmem>>)
          %dma_start3A_498 = arith.constant 0 : i32
          %dma_start3A_499 = arith.constant 0 : i32
          %dma_start3A_500 = tpu.memref_slice %arg12[%dma_start3A_498, %dma_start3A_499] : memref<4096x128xf32, #tpu.memory_space<vmem_shared>> -> memref<4096x128xf32, #tpu.memory_space<vmem_shared>>
          tpu.enqueue_indirect_dma source(%dma_start3A_500 : memref<4096x128xf32, #tpu.memory_space<vmem_shared>>) target(%arg19 : memref<128x128xf32, #tpu.memory_space<vmem>>) offsets(%arg15 : memref<128xi32, #tpu.memory_space<vmem>>) semaphore(%arg29 : memref<!tpu.dma_semaphore, #tpu.memory_space<semaphore_mem>>) {add = true}
        } else {
        }
      } else {
      }
      %mul3A_305 = arith.constant 4 : i32
      %mul3A_306 = arith.muli %mul3A_305, %scan3A_288 : i32
      %add3A_307 = arith.constant 2 : i32
      %add3A_308 = arith.addi %mul3A_306, %add3A_307 : i32
      %lt3A_309 = arith.cmpi slt, %add3A_308, %add3A_95 : i32
      %convert_element_type3A_310 = arith.extui %lt3A_309 : i1 to i32
      %cond3A_311 = arith.constant 0 : i32
      %cond3A_312 = arith.cmpi ne, %convert_element_type3A_310, %cond3A_311 : i32
      scf.if %cond3A_312 {
        %dma_wait3A_321 = arith.constant 0 : i32
        %dma_wait3A_322 = arith.constant 0 : i32
        %dma_wait3A_323 = tpu.memref_slice %arg12[%dma_wait3A_321, %dma_wait3A_322] : memref<4096x128xf32, #tpu.memory_space<vmem_shared>> -> memref<4096x128xf32, #tpu.memory_space<vmem_shared>>
        tpu.wait_indirect_dma semaphore(%arg29 : memref<!tpu.dma_semaphore, #tpu.memory_space<semaphore_mem>>) src(%dma_wait3A_323 : memref<4096x128xf32, #tpu.memory_space<vmem_shared>>) dst(%arg19 : memref<128x128xf32, #tpu.memory_space<vmem>>)
        %mul3A_324 = arith.constant 32 : i32
        %mul3A_325 = arith.muli %add3A_308, %mul3A_324 : i32
        %add3A_326 = arith.addi %add3A_88, %mul3A_325 : i32
        %mul3A_327 = arith.constant 128 : i32
        %mul3A_328 = arith.muli %add3A_326, %mul3A_327 : i32
        %dma_start3A_329 = arith.constant 0 : i32
        %dma_start3A_330 = tpu.memref_slice %arg5[%mul3A_328, %dma_start3A_329] : memref<100000x128xf32, #tpu.memory_space<hbm>> -> memref<128x128xf32, #tpu.memory_space<hbm>>
        %dma_start3A_331 = arith.constant 0 : i32
        %dma_start3A_332 = tpu.memref_slice %arg5[%mul3A_328, %dma_start3A_331] : memref<100000x128xf32, #tpu.memory_space<hbm>> -> memref<128x128xf32, #tpu.memory_space<hbm>>
        tpu.enqueue_dma source(%arg19 : memref<128x128xf32, #tpu.memory_space<vmem>>) target(%dma_start3A_332 : memref<128x128xf32, #tpu.memory_space<hbm>>) target_semaphore(%arg33 : memref<!tpu.dma_semaphore, #tpu.memory_space<semaphore_mem>>)
        %add3A_333 = arith.constant 2 : i32
        %add3A_334 = arith.addi %add3A_308, %add3A_333 : i32
        %lt3A_335 = arith.cmpi slt, %add3A_334, %add3A_95 : i32
        %convert_element_type3A_336 = arith.extui %lt3A_335 : i1 to i32
        %cond3A_337 = arith.constant 0 : i32
        %cond3A_338 = arith.cmpi ne, %convert_element_type3A_336, %cond3A_337 : i32
        scf.if %cond3A_338 {
          %ge3A_345 = arith.constant 2 : i32
          %ge3A_346 = arith.cmpi sge, %add3A_308, %ge3A_345 : i32
          %convert_element_type3A_347 = arith.extui %ge3A_346 : i1 to i32
          %cond3A_348 = arith.constant 0 : i32
          %cond3A_349 = arith.cmpi ne, %convert_element_type3A_347, %cond3A_348 : i32
          scf.if %cond3A_349 {
            %sub3A_368 = arith.constant 2 : i32
            %sub3A_369 = arith.subi %add3A_308, %sub3A_368 : i32
            %mul3A_370 = arith.constant 32 : i32
            %mul3A_371 = arith.muli %sub3A_369, %mul3A_370 : i32
            %add3A_372 = arith.addi %add3A_88, %mul3A_371 : i32
            %mul3A_373 = arith.constant 128 : i32
            %mul3A_374 = arith.muli %add3A_372, %mul3A_373 : i32
            %dma_wait3A_375 = arith.constant 0 : i32
            %dma_wait3A_376 = tpu.memref_slice %arg5[%mul3A_374, %dma_wait3A_375] : memref<100000x128xf32, #tpu.memory_space<hbm>> -> memref<128x128xf32, #tpu.memory_space<hbm>>
            %dma_wait3A_377 = arith.constant 0 : i32
            %dma_wait3A_378 = tpu.memref_slice %arg5[%mul3A_374, %dma_wait3A_377] : memref<100000x128xf32, #tpu.memory_space<hbm>> -> memref<128x128xf32, #tpu.memory_space<hbm>>
            tpu.wait_dma2 semaphore(%arg31 : memref<!tpu.dma_semaphore, #tpu.memory_space<semaphore_mem>>) src(%arg17 : memref<128x128xf32, #tpu.memory_space<vmem>>) dst(%dma_wait3A_378 : memref<128x128xf32, #tpu.memory_space<hbm>>)
          } else {
          }
          %add3A_350 = arith.constant 2 : i32
          %add3A_351 = arith.addi %add3A_308, %add3A_350 : i32
          %mul3A_352 = arith.constant 32 : i32
          %mul3A_353 = arith.muli %add3A_351, %mul3A_352 : i32
          %add3A_354 = arith.addi %add3A_88, %mul3A_353 : i32
          %mul3A_355 = arith.constant 128 : i32
          %mul3A_356 = arith.muli %add3A_354, %mul3A_355 : i32
          %dma_start3A_357 = tpu.memref_slice %arg3[%mul3A_356] : memref<100000xi32, #tpu.memory_space<hbm>> -> memref<128xi32, #tpu.memory_space<hbm>>
          %dma_start3A_358 = tpu.memref_slice %arg3[%mul3A_356] : memref<100000xi32, #tpu.memory_space<hbm>> -> memref<128xi32, #tpu.memory_space<hbm>>
          tpu.enqueue_dma source(%dma_start3A_358 : memref<128xi32, #tpu.memory_space<hbm>>) target(%arg13 : memref<128xi32, #tpu.memory_space<vmem>>) target_semaphore(%arg21 : memref<!tpu.dma_semaphore, #tpu.memory_space<semaphore_mem>>)
          %mul3A_359 = arith.constant 32 : i32
          %mul3A_360 = arith.muli %add3A_351, %mul3A_359 : i32
          %add3A_361 = arith.addi %add3A_88, %mul3A_360 : i32
          %mul3A_362 = arith.constant 128 : i32
          %mul3A_363 = arith.muli %add3A_361, %mul3A_362 : i32
          %dma_start3A_364 = arith.constant 0 : i32
          %dma_start3A_365 = tpu.memref_slice %arg2[%mul3A_363, %dma_start3A_364] : memref<100000x128xf32, #tpu.memory_space<hbm>> -> memref<128x128xf32, #tpu.memory_space<hbm>>
          %dma_start3A_366 = arith.constant 0 : i32
          %dma_start3A_367 = tpu.memref_slice %arg2[%mul3A_363, %dma_start3A_366] : memref<100000x128xf32, #tpu.memory_space<hbm>> -> memref<128x128xf32, #tpu.memory_space<hbm>>
          tpu.enqueue_dma source(%dma_start3A_367 : memref<128x128xf32, #tpu.memory_space<hbm>>) target(%arg17 : memref<128x128xf32, #tpu.memory_space<vmem>>) target_semaphore(%arg23 : memref<!tpu.dma_semaphore, #tpu.memory_space<semaphore_mem>>)
        } else {
        }
        %add3A_339 = arith.constant 1 : i32
        %add3A_340 = arith.addi %add3A_308, %add3A_339 : i32
        %lt3A_341 = arith.cmpi slt, %add3A_340, %add3A_95 : i32
        %convert_element_type3A_342 = arith.extui %lt3A_341 : i1 to i32
        %cond3A_343 = arith.constant 0 : i32
        %cond3A_344 = arith.cmpi ne, %convert_element_type3A_342, %cond3A_343 : i32
        scf.if %cond3A_344 {
          %add3A_345 = arith.constant 1 : i32
          %add3A_346 = arith.addi %add3A_308, %add3A_345 : i32
          %mul3A_347 = arith.constant 32 : i32
          %mul3A_348 = arith.muli %add3A_346, %mul3A_347 : i32
          %add3A_349 = arith.addi %add3A_88, %mul3A_348 : i32
          %mul3A_350 = arith.constant 128 : i32
          %mul3A_351 = arith.muli %add3A_349, %mul3A_350 : i32
          %dma_wait3A_352 = tpu.memref_slice %arg3[%mul3A_351] : memref<100000xi32, #tpu.memory_space<hbm>> -> memref<128xi32, #tpu.memory_space<hbm>>
          %dma_wait3A_353 = tpu.memref_slice %arg3[%mul3A_351] : memref<100000xi32, #tpu.memory_space<hbm>> -> memref<128xi32, #tpu.memory_space<hbm>>
          tpu.wait_dma2 semaphore(%arg22 : memref<!tpu.dma_semaphore, #tpu.memory_space<semaphore_mem>>) src(%dma_wait3A_353 : memref<128xi32, #tpu.memory_space<hbm>>) dst(%arg14 : memref<128xi32, #tpu.memory_space<vmem>>)
          %mul3A_354 = arith.constant 32 : i32
          %mul3A_355 = arith.muli %add3A_346, %mul3A_354 : i32
          %add3A_356 = arith.addi %add3A_88, %mul3A_355 : i32
          %mul3A_357 = arith.constant 128 : i32
          %mul3A_358 = arith.muli %add3A_356, %mul3A_357 : i32
          %get3A_359 = arith.constant 0 : index
          %get3A_360 = tpu.vector_load %arg14[%get3A_359] {strides = array<i32>} : memref<128xi32, #tpu.memory_space<vmem>>, vector<16xi32>,
          %gather3A_361 = tpu.vector_load_idx %arg10[%get3A_360] : memref<64xi32, #tpu.memory_space<vmem>>[vector<16xi32>], vector<16xi32>,
          %add3A_362 = arith.constant 0 : i32
          %add3A_363 = arith.addi %mul3A_358, %add3A_362 : i32
          %add3A_364 = vector.broadcast %add3A_363 : i32 to vector<16xi32>
          %add3A_365 = arith.addi %add3A_364, %iota3A : vector<16xi32>
          %sub3A_366 = arith.subi %add3A_365, %gather3A_361 : vector<16xi32>
          %add3A_367 = arith.constant 1 : i32
          %add3A_368 = vector.broadcast %add3A_367 : i32 to vector<16xi32>
          %add3A_369 = arith.addi %sub3A_366, %add3A_368 : vector<16xi32>
          %min3A_370 = arith.constant 4095 : i32
          %min3A_371 = vector.broadcast %min3A_370 : i32 to vector<16xi32>
          %min3A_372 = arith.minsi %add3A_369, %min3A_371 : vector<16xi32>
          %swap3A_373 = arith.constant 0 : index
          %swap3A_374 = tpu.vector_load %arg16[%swap3A_373] {strides = array<i32>} : memref<128xi32, #tpu.memory_space<vmem>>, vector<16xi32>,
          tpu.vector_store %arg16[%swap3A_373], %min3A_372 {strides = array<i32>} : memref<128xi32, #tpu.memory_space<vmem>>, vector<16xi32>,
          %get3A_375 = arith.constant 16 : index
          %get3A_376 = tpu.vector_load %arg14[%get3A_375] {strides = array<i32>} : memref<128xi32, #tpu.memory_space<vmem>>, vector<16xi32>,
          %gather3A_377 = tpu.vector_load_idx %arg10[%get3A_376] : memref<64xi32, #tpu.memory_space<vmem>>[vector<16xi32>], vector<16xi32>,
          %add3A_378 = arith.constant 16 : i32
          %add3A_379 = arith.addi %mul3A_358, %add3A_378 : i32
          %add3A_380 = vector.broadcast %add3A_379 : i32 to vector<16xi32>
          %add3A_381 = arith.addi %add3A_380, %iota3A : vector<16xi32>
          %sub3A_382 = arith.subi %add3A_381, %gather3A_377 : vector<16xi32>
          %add3A_383 = arith.constant 1 : i32
          %add3A_384 = vector.broadcast %add3A_383 : i32 to vector<16xi32>
          %add3A_385 = arith.addi %sub3A_382, %add3A_384 : vector<16xi32>
          %min3A_386 = arith.constant 4095 : i32
          %min3A_387 = vector.broadcast %min3A_386 : i32 to vector<16xi32>
          %min3A_388 = arith.minsi %add3A_385, %min3A_387 : vector<16xi32>
          %swap3A_389 = arith.constant 16 : index
          %swap3A_390 = tpu.vector_load %arg16[%swap3A_389] {strides = array<i32>} : memref<128xi32, #tpu.memory_space<vmem>>, vector<16xi32>,
          tpu.vector_store %arg16[%swap3A_389], %min3A_388 {strides = array<i32>} : memref<128xi32, #tpu.memory_space<vmem>>, vector<16xi32>,
          %get3A_391 = arith.constant 32 : index
          %get3A_392 = tpu.vector_load %arg14[%get3A_391] {strides = array<i32>} : memref<128xi32, #tpu.memory_space<vmem>>, vector<16xi32>,
          %gather3A_393 = tpu.vector_load_idx %arg10[%get3A_392] : memref<64xi32, #tpu.memory_space<vmem>>[vector<16xi32>], vector<16xi32>,
          %add3A_394 = arith.constant 32 : i32
          %add3A_395 = arith.addi %mul3A_358, %add3A_394 : i32
          %add3A_396 = vector.broadcast %add3A_395 : i32 to vector<16xi32>
          %add3A_397 = arith.addi %add3A_396, %iota3A : vector<16xi32>
          %sub3A_398 = arith.subi %add3A_397, %gather3A_393 : vector<16xi32>
          %add3A_399 = arith.constant 1 : i32
          %add3A_400 = vector.broadcast %add3A_399 : i32 to vector<16xi32>
          %add3A_401 = arith.addi %sub3A_398, %add3A_400 : vector<16xi32>
          %min3A_402 = arith.constant 4095 : i32
          %min3A_403 = vector.broadcast %min3A_402 : i32 to vector<16xi32>
          %min3A_404 = arith.minsi %add3A_401, %min3A_403 : vector<16xi32>
          %swap3A_405 = arith.constant 32 : index
          %swap3A_406 = tpu.vector_load %arg16[%swap3A_405] {strides = array<i32>} : memref<128xi32, #tpu.memory_space<vmem>>, vector<16xi32>,
          tpu.vector_store %arg16[%swap3A_405], %min3A_404 {strides = array<i32>} : memref<128xi32, #tpu.memory_space<vmem>>, vector<16xi32>,
          %get3A_407 = arith.constant 48 : index
          %get3A_408 = tpu.vector_load %arg14[%get3A_407] {strides = array<i32>} : memref<128xi32, #tpu.memory_space<vmem>>, vector<16xi32>,
          %gather3A_409 = tpu.vector_load_idx %arg10[%get3A_408] : memref<64xi32, #tpu.memory_space<vmem>>[vector<16xi32>], vector<16xi32>,
          %add3A_410 = arith.constant 48 : i32
          %add3A_411 = arith.addi %mul3A_358, %add3A_410 : i32
          %add3A_412 = vector.broadcast %add3A_411 : i32 to vector<16xi32>
          %add3A_413 = arith.addi %add3A_412, %iota3A : vector<16xi32>
          %sub3A_414 = arith.subi %add3A_413, %gather3A_409 : vector<16xi32>
          %add3A_415 = arith.constant 1 : i32
          %add3A_416 = vector.broadcast %add3A_415 : i32 to vector<16xi32>
          %add3A_417 = arith.addi %sub3A_414, %add3A_416 : vector<16xi32>
          %min3A_418 = arith.constant 4095 : i32
          %min3A_419 = vector.broadcast %min3A_418 : i32 to vector<16xi32>
          %min3A_420 = arith.minsi %add3A_417, %min3A_419 : vector<16xi32>
          %swap3A_421 = arith.constant 48 : index
          %swap3A_422 = tpu.vector_load %arg16[%swap3A_421] {strides = array<i32>} : memref<128xi32, #tpu.memory_space<vmem>>, vector<16xi32>,
          tpu.vector_store %arg16[%swap3A_421], %min3A_420 {strides = array<i32>} : memref<128xi32, #tpu.memory_space<vmem>>, vector<16xi32>,
          %get3A_423 = arith.constant 64 : index
          %get3A_424 = tpu.vector_load %arg14[%get3A_423] {strides = array<i32>} : memref<128xi32, #tpu.memory_space<vmem>>, vector<16xi32>,
          %gather3A_425 = tpu.vector_load_idx %arg10[%get3A_424] : memref<64xi32, #tpu.memory_space<vmem>>[vector<16xi32>], vector<16xi32>,
          %add3A_426 = arith.constant 64 : i32
          %add3A_427 = arith.addi %mul3A_358, %add3A_426 : i32
          %add3A_428 = vector.broadcast %add3A_427 : i32 to vector<16xi32>
          %add3A_429 = arith.addi %add3A_428, %iota3A : vector<16xi32>
          %sub3A_430 = arith.subi %add3A_429, %gather3A_425 : vector<16xi32>
          %add3A_431 = arith.constant 1 : i32
          %add3A_432 = vector.broadcast %add3A_431 : i32 to vector<16xi32>
          %add3A_433 = arith.addi %sub3A_430, %add3A_432 : vector<16xi32>
          %min3A_434 = arith.constant 4095 : i32
          %min3A_435 = vector.broadcast %min3A_434 : i32 to vector<16xi32>
          %min3A_436 = arith.minsi %add3A_433, %min3A_435 : vector<16xi32>
          %swap3A_437 = arith.constant 64 : index
          %swap3A_438 = tpu.vector_load %arg16[%swap3A_437] {strides = array<i32>} : memref<128xi32, #tpu.memory_space<vmem>>, vector<16xi32>,
          tpu.vector_store %arg16[%swap3A_437], %min3A_436 {strides = array<i32>} : memref<128xi32, #tpu.memory_space<vmem>>, vector<16xi32>,
          %get3A_439 = arith.constant 80 : index
          %get3A_440 = tpu.vector_load %arg14[%get3A_439] {strides = array<i32>} : memref<128xi32, #tpu.memory_space<vmem>>, vector<16xi32>,
          %gather3A_441 = tpu.vector_load_idx %arg10[%get3A_440] : memref<64xi32, #tpu.memory_space<vmem>>[vector<16xi32>], vector<16xi32>,
          %add3A_442 = arith.constant 80 : i32
          %add3A_443 = arith.addi %mul3A_358, %add3A_442 : i32
          %add3A_444 = vector.broadcast %add3A_443 : i32 to vector<16xi32>
          %add3A_445 = arith.addi %add3A_444, %iota3A : vector<16xi32>
          %sub3A_446 = arith.subi %add3A_445, %gather3A_441 : vector<16xi32>
          %add3A_447 = arith.constant 1 : i32
          %add3A_448 = vector.broadcast %add3A_447 : i32 to vector<16xi32>
          %add3A_449 = arith.addi %sub3A_446, %add3A_448 : vector<16xi32>
          %min3A_450 = arith.constant 4095 : i32
          %min3A_451 = vector.broadcast %min3A_450 : i32 to vector<16xi32>
          %min3A_452 = arith.minsi %add3A_449, %min3A_451 : vector<16xi32>
          %swap3A_453 = arith.constant 80 : index
          %swap3A_454 = tpu.vector_load %arg16[%swap3A_453] {strides = array<i32>} : memref<128xi32, #tpu.memory_space<vmem>>, vector<16xi32>,
          tpu.vector_store %arg16[%swap3A_453], %min3A_452 {strides = array<i32>} : memref<128xi32, #tpu.memory_space<vmem>>, vector<16xi32>,
          %get3A_455 = arith.constant 96 : index
          %get3A_456 = tpu.vector_load %arg14[%get3A_455] {strides = array<i32>} : memref<128xi32, #tpu.memory_space<vmem>>, vector<16xi32>,
          %gather3A_457 = tpu.vector_load_idx %arg10[%get3A_456] : memref<64xi32, #tpu.memory_space<vmem>>[vector<16xi32>], vector<16xi32>,
          %add3A_458 = arith.constant 96 : i32
          %add3A_459 = arith.addi %mul3A_358, %add3A_458 : i32
          %add3A_460 = vector.broadcast %add3A_459 : i32 to vector<16xi32>
          %add3A_461 = arith.addi %add3A_460, %iota3A : vector<16xi32>
          %sub3A_462 = arith.subi %add3A_461, %gather3A_457 : vector<16xi32>
          %add3A_463 = arith.constant 1 : i32
          %add3A_464 = vector.broadcast %add3A_463 : i32 to vector<16xi32>
          %add3A_465 = arith.addi %sub3A_462, %add3A_464 : vector<16xi32>
          %min3A_466 = arith.constant 4095 : i32
          %min3A_467 = vector.broadcast %min3A_466 : i32 to vector<16xi32>
          %min3A_468 = arith.minsi %add3A_465, %min3A_467 : vector<16xi32>
          %swap3A_469 = arith.constant 96 : index
          %swap3A_470 = tpu.vector_load %arg16[%swap3A_469] {strides = array<i32>} : memref<128xi32, #tpu.memory_space<vmem>>, vector<16xi32>,
          tpu.vector_store %arg16[%swap3A_469], %min3A_468 {strides = array<i32>} : memref<128xi32, #tpu.memory_space<vmem>>, vector<16xi32>,
          %get3A_471 = arith.constant 112 : index
          %get3A_472 = tpu.vector_load %arg14[%get3A_471] {strides = array<i32>} : memref<128xi32, #tpu.memory_space<vmem>>, vector<16xi32>,
          %gather3A_473 = tpu.vector_load_idx %arg10[%get3A_472] : memref<64xi32, #tpu.memory_space<vmem>>[vector<16xi32>], vector<16xi32>,
          %add3A_474 = arith.constant 112 : i32
          %add3A_475 = arith.addi %mul3A_358, %add3A_474 : i32
          %add3A_476 = vector.broadcast %add3A_475 : i32 to vector<16xi32>
          %add3A_477 = arith.addi %add3A_476, %iota3A : vector<16xi32>
          %sub3A_478 = arith.subi %add3A_477, %gather3A_473 : vector<16xi32>
          %add3A_479 = arith.constant 1 : i32
          %add3A_480 = vector.broadcast %add3A_479 : i32 to vector<16xi32>
          %add3A_481 = arith.addi %sub3A_478, %add3A_480 : vector<16xi32>
          %min3A_482 = arith.constant 4095 : i32
          %min3A_483 = vector.broadcast %min3A_482 : i32 to vector<16xi32>
          %min3A_484 = arith.minsi %add3A_481, %min3A_483 : vector<16xi32>
          %swap3A_485 = arith.constant 112 : index
          %swap3A_486 = tpu.vector_load %arg16[%swap3A_485] {strides = array<i32>} : memref<128xi32, #tpu.memory_space<vmem>>, vector<16xi32>,
          tpu.vector_store %arg16[%swap3A_485], %min3A_484 {strides = array<i32>} : memref<128xi32, #tpu.memory_space<vmem>>, vector<16xi32>,
          %add3A_487 = arith.constant 1 : i32
          %add3A_488 = arith.addi %add3A_308, %add3A_487 : i32
          %mul3A_489 = arith.constant 32 : i32
          %mul3A_490 = arith.muli %add3A_488, %mul3A_489 : i32
          %add3A_491 = arith.addi %add3A_88, %mul3A_490 : i32
          %mul3A_492 = arith.constant 128 : i32
          %mul3A_493 = arith.muli %add3A_491, %mul3A_492 : i32
          %dma_wait3A_494 = arith.constant 0 : i32
          %dma_wait3A_495 = tpu.memref_slice %arg2[%mul3A_493, %dma_wait3A_494] : memref<100000x128xf32, #tpu.memory_space<hbm>> -> memref<128x128xf32, #tpu.memory_space<hbm>>
          %dma_wait3A_496 = arith.constant 0 : i32
          %dma_wait3A_497 = tpu.memref_slice %arg2[%mul3A_493, %dma_wait3A_496] : memref<100000x128xf32, #tpu.memory_space<hbm>> -> memref<128x128xf32, #tpu.memory_space<hbm>>
          tpu.wait_dma2 semaphore(%arg26 : memref<!tpu.dma_semaphore, #tpu.memory_space<semaphore_mem>>) src(%dma_wait3A_497 : memref<128x128xf32, #tpu.memory_space<hbm>>) dst(%arg20 : memref<128x128xf32, #tpu.memory_space<vmem>>)
          %dma_start3A_498 = arith.constant 0 : i32
          %dma_start3A_499 = arith.constant 0 : i32
          %dma_start3A_500 = tpu.memref_slice %arg12[%dma_start3A_498, %dma_start3A_499] : memref<4096x128xf32, #tpu.memory_space<vmem_shared>> -> memref<4096x128xf32, #tpu.memory_space<vmem_shared>>
          tpu.enqueue_indirect_dma source(%dma_start3A_500 : memref<4096x128xf32, #tpu.memory_space<vmem_shared>>) target(%arg20 : memref<128x128xf32, #tpu.memory_space<vmem>>) offsets(%arg16 : memref<128xi32, #tpu.memory_space<vmem>>) semaphore(%arg30 : memref<!tpu.dma_semaphore, #tpu.memory_space<semaphore_mem>>) {add = true}
        } else {
        }
      } else {
      }
      %mul3A_313 = arith.constant 4 : i32
      %mul3A_314 = arith.muli %mul3A_313, %scan3A_288 : i32
      %add3A_315 = arith.constant 3 : i32
      %add3A_316 = arith.addi %mul3A_314, %add3A_315 : i32
      %lt3A_317 = arith.cmpi slt, %add3A_316, %add3A_95 : i32
      %convert_element_type3A_318 = arith.extui %lt3A_317 : i1 to i32
      %cond3A_319 = arith.constant 0 : i32
      %cond3A_320 = arith.cmpi ne, %convert_element_type3A_318, %cond3A_319 : i32
      scf.if %cond3A_320 {
        %dma_wait3A_321 = arith.constant 0 : i32
        %dma_wait3A_322 = arith.constant 0 : i32
        %dma_wait3A_323 = tpu.memref_slice %arg12[%dma_wait3A_321, %dma_wait3A_322] : memref<4096x128xf32, #tpu.memory_space<vmem_shared>> -> memref<4096x128xf32, #tpu.memory_space<vmem_shared>>
        tpu.wait_indirect_dma semaphore(%arg30 : memref<!tpu.dma_semaphore, #tpu.memory_space<semaphore_mem>>) src(%dma_wait3A_323 : memref<4096x128xf32, #tpu.memory_space<vmem_shared>>) dst(%arg20 : memref<128x128xf32, #tpu.memory_space<vmem>>)
        %mul3A_324 = arith.constant 32 : i32
        %mul3A_325 = arith.muli %add3A_316, %mul3A_324 : i32
        %add3A_326 = arith.addi %add3A_88, %mul3A_325 : i32
        %mul3A_327 = arith.constant 128 : i32
        %mul3A_328 = arith.muli %add3A_326, %mul3A_327 : i32
        %dma_start3A_329 = arith.constant 0 : i32
        %dma_start3A_330 = tpu.memref_slice %arg5[%mul3A_328, %dma_start3A_329] : memref<100000x128xf32, #tpu.memory_space<hbm>> -> memref<128x128xf32, #tpu.memory_space<hbm>>
        %dma_start3A_331 = arith.constant 0 : i32
        %dma_start3A_332 = tpu.memref_slice %arg5[%mul3A_328, %dma_start3A_331] : memref<100000x128xf32, #tpu.memory_space<hbm>> -> memref<128x128xf32, #tpu.memory_space<hbm>>
        tpu.enqueue_dma source(%arg20 : memref<128x128xf32, #tpu.memory_space<vmem>>) target(%dma_start3A_332 : memref<128x128xf32, #tpu.memory_space<hbm>>) target_semaphore(%arg34 : memref<!tpu.dma_semaphore, #tpu.memory_space<semaphore_mem>>)
        %add3A_333 = arith.constant 2 : i32
        %add3A_334 = arith.addi %add3A_316, %add3A_333 : i32
        %lt3A_335 = arith.cmpi slt, %add3A_334, %add3A_95 : i32
        %convert_element_type3A_336 = arith.extui %lt3A_335 : i1 to i32
        %cond3A_337 = arith.constant 0 : i32
        %cond3A_338 = arith.cmpi ne, %convert_element_type3A_336, %cond3A_337 : i32
        scf.if %cond3A_338 {
          %ge3A_345 = arith.constant 2 : i32
          %ge3A_346 = arith.cmpi sge, %add3A_316, %ge3A_345 : i32
          %convert_element_type3A_347 = arith.extui %ge3A_346 : i1 to i32
          %cond3A_348 = arith.constant 0 : i32
          %cond3A_349 = arith.cmpi ne, %convert_element_type3A_347, %cond3A_348 : i32
          scf.if %cond3A_349 {
            %sub3A_368 = arith.constant 2 : i32
            %sub3A_369 = arith.subi %add3A_316, %sub3A_368 : i32
            %mul3A_370 = arith.constant 32 : i32
            %mul3A_371 = arith.muli %sub3A_369, %mul3A_370 : i32
            %add3A_372 = arith.addi %add3A_88, %mul3A_371 : i32
            %mul3A_373 = arith.constant 128 : i32
            %mul3A_374 = arith.muli %add3A_372, %mul3A_373 : i32
            %dma_wait3A_375 = arith.constant 0 : i32
            %dma_wait3A_376 = tpu.memref_slice %arg5[%mul3A_374, %dma_wait3A_375] : memref<100000x128xf32, #tpu.memory_space<hbm>> -> memref<128x128xf32, #tpu.memory_space<hbm>>
            %dma_wait3A_377 = arith.constant 0 : i32
            %dma_wait3A_378 = tpu.memref_slice %arg5[%mul3A_374, %dma_wait3A_377] : memref<100000x128xf32, #tpu.memory_space<hbm>> -> memref<128x128xf32, #tpu.memory_space<hbm>>
            tpu.wait_dma2 semaphore(%arg32 : memref<!tpu.dma_semaphore, #tpu.memory_space<semaphore_mem>>) src(%arg18 : memref<128x128xf32, #tpu.memory_space<vmem>>) dst(%dma_wait3A_378 : memref<128x128xf32, #tpu.memory_space<hbm>>)
          } else {
          }
          %add3A_350 = arith.constant 2 : i32
          %add3A_351 = arith.addi %add3A_316, %add3A_350 : i32
          %mul3A_352 = arith.constant 32 : i32
          %mul3A_353 = arith.muli %add3A_351, %mul3A_352 : i32
          %add3A_354 = arith.addi %add3A_88, %mul3A_353 : i32
          %mul3A_355 = arith.constant 128 : i32
          %mul3A_356 = arith.muli %add3A_354, %mul3A_355 : i32
          %dma_start3A_357 = tpu.memref_slice %arg3[%mul3A_356] : memref<100000xi32, #tpu.memory_space<hbm>> -> memref<128xi32, #tpu.memory_space<hbm>>
          %dma_start3A_358 = tpu.memref_slice %arg3[%mul3A_356] : memref<100000xi32, #tpu.memory_space<hbm>> -> memref<128xi32, #tpu.memory_space<hbm>>
          tpu.enqueue_dma source(%dma_start3A_358 : memref<128xi32, #tpu.memory_space<hbm>>) target(%arg14 : memref<128xi32, #tpu.memory_space<vmem>>) target_semaphore(%arg22 : memref<!tpu.dma_semaphore, #tpu.memory_space<semaphore_mem>>)
          %mul3A_359 = arith.constant 32 : i32
          %mul3A_360 = arith.muli %add3A_351, %mul3A_359 : i32
          %add3A_361 = arith.addi %add3A_88, %mul3A_360 : i32
          %mul3A_362 = arith.constant 128 : i32
          %mul3A_363 = arith.muli %add3A_361, %mul3A_362 : i32
          %dma_start3A_364 = arith.constant 0 : i32
          %dma_start3A_365 = tpu.memref_slice %arg2[%mul3A_363, %dma_start3A_364] : memref<100000x128xf32, #tpu.memory_space<hbm>> -> memref<128x128xf32, #tpu.memory_space<hbm>>
          %dma_start3A_366 = arith.constant 0 : i32
          %dma_start3A_367 = tpu.memref_slice %arg2[%mul3A_363, %dma_start3A_366] : memref<100000x128xf32, #tpu.memory_space<hbm>> -> memref<128x128xf32, #tpu.memory_space<hbm>>
          tpu.enqueue_dma source(%dma_start3A_367 : memref<128x128xf32, #tpu.memory_space<hbm>>) target(%arg18 : memref<128x128xf32, #tpu.memory_space<vmem>>) target_semaphore(%arg24 : memref<!tpu.dma_semaphore, #tpu.memory_space<semaphore_mem>>)
        } else {
        }
        %add3A_339 = arith.constant 1 : i32
        %add3A_340 = arith.addi %add3A_316, %add3A_339 : i32
        %lt3A_341 = arith.cmpi slt, %add3A_340, %add3A_95 : i32
        %convert_element_type3A_342 = arith.extui %lt3A_341 : i1 to i32
        %cond3A_343 = arith.constant 0 : i32
        %cond3A_344 = arith.cmpi ne, %convert_element_type3A_342, %cond3A_343 : i32
        scf.if %cond3A_344 {
          %add3A_345 = arith.constant 1 : i32
          %add3A_346 = arith.addi %add3A_316, %add3A_345 : i32
          %mul3A_347 = arith.constant 32 : i32
          %mul3A_348 = arith.muli %add3A_346, %mul3A_347 : i32
          %add3A_349 = arith.addi %add3A_88, %mul3A_348 : i32
          %mul3A_350 = arith.constant 128 : i32
          %mul3A_351 = arith.muli %add3A_349, %mul3A_350 : i32
          %dma_wait3A_352 = tpu.memref_slice %arg3[%mul3A_351] : memref<100000xi32, #tpu.memory_space<hbm>> -> memref<128xi32, #tpu.memory_space<hbm>>
          %dma_wait3A_353 = tpu.memref_slice %arg3[%mul3A_351] : memref<100000xi32, #tpu.memory_space<hbm>> -> memref<128xi32, #tpu.memory_space<hbm>>
          tpu.wait_dma2 semaphore(%arg21 : memref<!tpu.dma_semaphore, #tpu.memory_space<semaphore_mem>>) src(%dma_wait3A_353 : memref<128xi32, #tpu.memory_space<hbm>>) dst(%arg13 : memref<128xi32, #tpu.memory_space<vmem>>)
          %mul3A_354 = arith.constant 32 : i32
          %mul3A_355 = arith.muli %add3A_346, %mul3A_354 : i32
          %add3A_356 = arith.addi %add3A_88, %mul3A_355 : i32
          %mul3A_357 = arith.constant 128 : i32
          %mul3A_358 = arith.muli %add3A_356, %mul3A_357 : i32
          %get3A_359 = arith.constant 0 : index
          %get3A_360 = tpu.vector_load %arg13[%get3A_359] {strides = array<i32>} : memref<128xi32, #tpu.memory_space<vmem>>, vector<16xi32>,
          %gather3A_361 = tpu.vector_load_idx %arg10[%get3A_360] : memref<64xi32, #tpu.memory_space<vmem>>[vector<16xi32>], vector<16xi32>,
          %add3A_362 = arith.constant 0 : i32
          %add3A_363 = arith.addi %mul3A_358, %add3A_362 : i32
          %add3A_364 = vector.broadcast %add3A_363 : i32 to vector<16xi32>
          %add3A_365 = arith.addi %add3A_364, %iota3A : vector<16xi32>
          %sub3A_366 = arith.subi %add3A_365, %gather3A_361 : vector<16xi32>
          %add3A_367 = arith.constant 1 : i32
          %add3A_368 = vector.broadcast %add3A_367 : i32 to vector<16xi32>
          %add3A_369 = arith.addi %sub3A_366, %add3A_368 : vector<16xi32>
          %min3A_370 = arith.constant 4095 : i32
          %min3A_371 = vector.broadcast %min3A_370 : i32 to vector<16xi32>
          %min3A_372 = arith.minsi %add3A_369, %min3A_371 : vector<16xi32>
          %swap3A_373 = arith.constant 0 : index
          %swap3A_374 = tpu.vector_load %arg15[%swap3A_373] {strides = array<i32>} : memref<128xi32, #tpu.memory_space<vmem>>, vector<16xi32>,
          tpu.vector_store %arg15[%swap3A_373], %min3A_372 {strides = array<i32>} : memref<128xi32, #tpu.memory_space<vmem>>, vector<16xi32>,
          %get3A_375 = arith.constant 16 : index
          %get3A_376 = tpu.vector_load %arg13[%get3A_375] {strides = array<i32>} : memref<128xi32, #tpu.memory_space<vmem>>, vector<16xi32>,
          %gather3A_377 = tpu.vector_load_idx %arg10[%get3A_376] : memref<64xi32, #tpu.memory_space<vmem>>[vector<16xi32>], vector<16xi32>,
          %add3A_378 = arith.constant 16 : i32
          %add3A_379 = arith.addi %mul3A_358, %add3A_378 : i32
          %add3A_380 = vector.broadcast %add3A_379 : i32 to vector<16xi32>
          %add3A_381 = arith.addi %add3A_380, %iota3A : vector<16xi32>
          %sub3A_382 = arith.subi %add3A_381, %gather3A_377 : vector<16xi32>
          %add3A_383 = arith.constant 1 : i32
          %add3A_384 = vector.broadcast %add3A_383 : i32 to vector<16xi32>
          %add3A_385 = arith.addi %sub3A_382, %add3A_384 : vector<16xi32>
          %min3A_386 = arith.constant 4095 : i32
          %min3A_387 = vector.broadcast %min3A_386 : i32 to vector<16xi32>
          %min3A_388 = arith.minsi %add3A_385, %min3A_387 : vector<16xi32>
          %swap3A_389 = arith.constant 16 : index
          %swap3A_390 = tpu.vector_load %arg15[%swap3A_389] {strides = array<i32>} : memref<128xi32, #tpu.memory_space<vmem>>, vector<16xi32>,
          tpu.vector_store %arg15[%swap3A_389], %min3A_388 {strides = array<i32>} : memref<128xi32, #tpu.memory_space<vmem>>, vector<16xi32>,
          %get3A_391 = arith.constant 32 : index
          %get3A_392 = tpu.vector_load %arg13[%get3A_391] {strides = array<i32>} : memref<128xi32, #tpu.memory_space<vmem>>, vector<16xi32>,
          %gather3A_393 = tpu.vector_load_idx %arg10[%get3A_392] : memref<64xi32, #tpu.memory_space<vmem>>[vector<16xi32>], vector<16xi32>,
          %add3A_394 = arith.constant 32 : i32
          %add3A_395 = arith.addi %mul3A_358, %add3A_394 : i32
          %add3A_396 = vector.broadcast %add3A_395 : i32 to vector<16xi32>
          %add3A_397 = arith.addi %add3A_396, %iota3A : vector<16xi32>
          %sub3A_398 = arith.subi %add3A_397, %gather3A_393 : vector<16xi32>
          %add3A_399 = arith.constant 1 : i32
          %add3A_400 = vector.broadcast %add3A_399 : i32 to vector<16xi32>
          %add3A_401 = arith.addi %sub3A_398, %add3A_400 : vector<16xi32>
          %min3A_402 = arith.constant 4095 : i32
          %min3A_403 = vector.broadcast %min3A_402 : i32 to vector<16xi32>
          %min3A_404 = arith.minsi %add3A_401, %min3A_403 : vector<16xi32>
          %swap3A_405 = arith.constant 32 : index
          %swap3A_406 = tpu.vector_load %arg15[%swap3A_405] {strides = array<i32>} : memref<128xi32, #tpu.memory_space<vmem>>, vector<16xi32>,
          tpu.vector_store %arg15[%swap3A_405], %min3A_404 {strides = array<i32>} : memref<128xi32, #tpu.memory_space<vmem>>, vector<16xi32>,
          %get3A_407 = arith.constant 48 : index
          %get3A_408 = tpu.vector_load %arg13[%get3A_407] {strides = array<i32>} : memref<128xi32, #tpu.memory_space<vmem>>, vector<16xi32>,
          %gather3A_409 = tpu.vector_load_idx %arg10[%get3A_408] : memref<64xi32, #tpu.memory_space<vmem>>[vector<16xi32>], vector<16xi32>,
          %add3A_410 = arith.constant 48 : i32
          %add3A_411 = arith.addi %mul3A_358, %add3A_410 : i32
          %add3A_412 = vector.broadcast %add3A_411 : i32 to vector<16xi32>
          %add3A_413 = arith.addi %add3A_412, %iota3A : vector<16xi32>
          %sub3A_414 = arith.subi %add3A_413, %gather3A_409 : vector<16xi32>
          %add3A_415 = arith.constant 1 : i32
          %add3A_416 = vector.broadcast %add3A_415 : i32 to vector<16xi32>
          %add3A_417 = arith.addi %sub3A_414, %add3A_416 : vector<16xi32>
          %min3A_418 = arith.constant 4095 : i32
          %min3A_419 = vector.broadcast %min3A_418 : i32 to vector<16xi32>
          %min3A_420 = arith.minsi %add3A_417, %min3A_419 : vector<16xi32>
          %swap3A_421 = arith.constant 48 : index
          %swap3A_422 = tpu.vector_load %arg15[%swap3A_421] {strides = array<i32>} : memref<128xi32, #tpu.memory_space<vmem>>, vector<16xi32>,
          tpu.vector_store %arg15[%swap3A_421], %min3A_420 {strides = array<i32>} : memref<128xi32, #tpu.memory_space<vmem>>, vector<16xi32>,
          %get3A_423 = arith.constant 64 : index
          %get3A_424 = tpu.vector_load %arg13[%get3A_423] {strides = array<i32>} : memref<128xi32, #tpu.memory_space<vmem>>, vector<16xi32>,
          %gather3A_425 = tpu.vector_load_idx %arg10[%get3A_424] : memref<64xi32, #tpu.memory_space<vmem>>[vector<16xi32>], vector<16xi32>,
          %add3A_426 = arith.constant 64 : i32
          %add3A_427 = arith.addi %mul3A_358, %add3A_426 : i32
          %add3A_428 = vector.broadcast %add3A_427 : i32 to vector<16xi32>
          %add3A_429 = arith.addi %add3A_428, %iota3A : vector<16xi32>
          %sub3A_430 = arith.subi %add3A_429, %gather3A_425 : vector<16xi32>
          %add3A_431 = arith.constant 1 : i32
          %add3A_432 = vector.broadcast %add3A_431 : i32 to vector<16xi32>
          %add3A_433 = arith.addi %sub3A_430, %add3A_432 : vector<16xi32>
          %min3A_434 = arith.constant 4095 : i32
          %min3A_435 = vector.broadcast %min3A_434 : i32 to vector<16xi32>
          %min3A_436 = arith.minsi %add3A_433, %min3A_435 : vector<16xi32>
          %swap3A_437 = arith.constant 64 : index
          %swap3A_438 = tpu.vector_load %arg15[%swap3A_437] {strides = array<i32>} : memref<128xi32, #tpu.memory_space<vmem>>, vector<16xi32>,
          tpu.vector_store %arg15[%swap3A_437], %min3A_436 {strides = array<i32>} : memref<128xi32, #tpu.memory_space<vmem>>, vector<16xi32>,
          %get3A_439 = arith.constant 80 : index
          %get3A_440 = tpu.vector_load %arg13[%get3A_439] {strides = array<i32>} : memref<128xi32, #tpu.memory_space<vmem>>, vector<16xi32>,
          %gather3A_441 = tpu.vector_load_idx %arg10[%get3A_440] : memref<64xi32, #tpu.memory_space<vmem>>[vector<16xi32>], vector<16xi32>,
          %add3A_442 = arith.constant 80 : i32
          %add3A_443 = arith.addi %mul3A_358, %add3A_442 : i32
          %add3A_444 = vector.broadcast %add3A_443 : i32 to vector<16xi32>
          %add3A_445 = arith.addi %add3A_444, %iota3A : vector<16xi32>
          %sub3A_446 = arith.subi %add3A_445, %gather3A_441 : vector<16xi32>
          %add3A_447 = arith.constant 1 : i32
          %add3A_448 = vector.broadcast %add3A_447 : i32 to vector<16xi32>
          %add3A_449 = arith.addi %sub3A_446, %add3A_448 : vector<16xi32>
          %min3A_450 = arith.constant 4095 : i32
          %min3A_451 = vector.broadcast %min3A_450 : i32 to vector<16xi32>
          %min3A_452 = arith.minsi %add3A_449, %min3A_451 : vector<16xi32>
          %swap3A_453 = arith.constant 80 : index
          %swap3A_454 = tpu.vector_load %arg15[%swap3A_453] {strides = array<i32>} : memref<128xi32, #tpu.memory_space<vmem>>, vector<16xi32>,
          tpu.vector_store %arg15[%swap3A_453], %min3A_452 {strides = array<i32>} : memref<128xi32, #tpu.memory_space<vmem>>, vector<16xi32>,
          %get3A_455 = arith.constant 96 : index
          %get3A_456 = tpu.vector_load %arg13[%get3A_455] {strides = array<i32>} : memref<128xi32, #tpu.memory_space<vmem>>, vector<16xi32>,
          %gather3A_457 = tpu.vector_load_idx %arg10[%get3A_456] : memref<64xi32, #tpu.memory_space<vmem>>[vector<16xi32>], vector<16xi32>,
          %add3A_458 = arith.constant 96 : i32
          %add3A_459 = arith.addi %mul3A_358, %add3A_458 : i32
          %add3A_460 = vector.broadcast %add3A_459 : i32 to vector<16xi32>
          %add3A_461 = arith.addi %add3A_460, %iota3A : vector<16xi32>
          %sub3A_462 = arith.subi %add3A_461, %gather3A_457 : vector<16xi32>
          %add3A_463 = arith.constant 1 : i32
          %add3A_464 = vector.broadcast %add3A_463 : i32 to vector<16xi32>
          %add3A_465 = arith.addi %sub3A_462, %add3A_464 : vector<16xi32>
          %min3A_466 = arith.constant 4095 : i32
          %min3A_467 = vector.broadcast %min3A_466 : i32 to vector<16xi32>
          %min3A_468 = arith.minsi %add3A_465, %min3A_467 : vector<16xi32>
          %swap3A_469 = arith.constant 96 : index
          %swap3A_470 = tpu.vector_load %arg15[%swap3A_469] {strides = array<i32>} : memref<128xi32, #tpu.memory_space<vmem>>, vector<16xi32>,
          tpu.vector_store %arg15[%swap3A_469], %min3A_468 {strides = array<i32>} : memref<128xi32, #tpu.memory_space<vmem>>, vector<16xi32>,
          %get3A_471 = arith.constant 112 : index
          %get3A_472 = tpu.vector_load %arg13[%get3A_471] {strides = array<i32>} : memref<128xi32, #tpu.memory_space<vmem>>, vector<16xi32>,
          %gather3A_473 = tpu.vector_load_idx %arg10[%get3A_472] : memref<64xi32, #tpu.memory_space<vmem>>[vector<16xi32>], vector<16xi32>,
          %add3A_474 = arith.constant 112 : i32
          %add3A_475 = arith.addi %mul3A_358, %add3A_474 : i32
          %add3A_476 = vector.broadcast %add3A_475 : i32 to vector<16xi32>
          %add3A_477 = arith.addi %add3A_476, %iota3A : vector<16xi32>
          %sub3A_478 = arith.subi %add3A_477, %gather3A_473 : vector<16xi32>
          %add3A_479 = arith.constant 1 : i32
          %add3A_480 = vector.broadcast %add3A_479 : i32 to vector<16xi32>
          %add3A_481 = arith.addi %sub3A_478, %add3A_480 : vector<16xi32>
          %min3A_482 = arith.constant 4095 : i32
          %min3A_483 = vector.broadcast %min3A_482 : i32 to vector<16xi32>
          %min3A_484 = arith.minsi %add3A_481, %min3A_483 : vector<16xi32>
          %swap3A_485 = arith.constant 112 : index
          %swap3A_486 = tpu.vector_load %arg15[%swap3A_485] {strides = array<i32>} : memref<128xi32, #tpu.memory_space<vmem>>, vector<16xi32>,
          tpu.vector_store %arg15[%swap3A_485], %min3A_484 {strides = array<i32>} : memref<128xi32, #tpu.memory_space<vmem>>, vector<16xi32>,
          %add3A_487 = arith.constant 1 : i32
          %add3A_488 = arith.addi %add3A_316, %add3A_487 : i32
          %mul3A_489 = arith.constant 32 : i32
          %mul3A_490 = arith.muli %add3A_488, %mul3A_489 : i32
          %add3A_491 = arith.addi %add3A_88, %mul3A_490 : i32
          %mul3A_492 = arith.constant 128 : i32
          %mul3A_493 = arith.muli %add3A_491, %mul3A_492 : i32
          %dma_wait3A_494 = arith.constant 0 : i32
          %dma_wait3A_495 = tpu.memref_slice %arg2[%mul3A_493, %dma_wait3A_494] : memref<100000x128xf32, #tpu.memory_space<hbm>> -> memref<128x128xf32, #tpu.memory_space<hbm>>
          %dma_wait3A_496 = arith.constant 0 : i32
          %dma_wait3A_497 = tpu.memref_slice %arg2[%mul3A_493, %dma_wait3A_496] : memref<100000x128xf32, #tpu.memory_space<hbm>> -> memref<128x128xf32, #tpu.memory_space<hbm>>
          tpu.wait_dma2 semaphore(%arg23 : memref<!tpu.dma_semaphore, #tpu.memory_space<semaphore_mem>>) src(%dma_wait3A_497 : memref<128x128xf32, #tpu.memory_space<hbm>>) dst(%arg17 : memref<128x128xf32, #tpu.memory_space<vmem>>)
          %dma_start3A_498 = arith.constant 0 : i32
          %dma_start3A_499 = arith.constant 0 : i32
          %dma_start3A_500 = tpu.memref_slice %arg12[%dma_start3A_498, %dma_start3A_499] : memref<4096x128xf32, #tpu.memory_space<vmem_shared>> -> memref<4096x128xf32, #tpu.memory_space<vmem_shared>>
          tpu.enqueue_indirect_dma source(%dma_start3A_500 : memref<4096x128xf32, #tpu.memory_space<vmem_shared>>) target(%arg17 : memref<128x128xf32, #tpu.memory_space<vmem>>) offsets(%arg15 : memref<128xi32, #tpu.memory_space<vmem>>) semaphore(%arg27 : memref<!tpu.dma_semaphore, #tpu.memory_space<semaphore_mem>>) {add = true}
        } else {
        }
      } else {
      }
    }
    %scan3A_278 = arith.constant 7 : i32
    %lt3A_279 = arith.constant 13 : i32
    %lt3A_280 = arith.cmpi slt, %add3A_88, %lt3A_279 : i32
    %convert_element_type3A_281 = arith.extui %lt3A_280 : i1 to i32
    %cond3A_282 = arith.constant 0 : i32
    %cond3A_283 = arith.cmpi ne, %convert_element_type3A_281, %cond3A_282 : i32
    scf.if %cond3A_283 {
      %add3A_288 = arith.constant 672 : i32
      %add3A_289 = arith.addi %add3A_88, %add3A_288 : i32
      %mul3A_290 = arith.constant 128 : i32
      %mul3A_291 = arith.muli %add3A_289, %mul3A_290 : i32
      %dma_wait3A_292 = arith.constant 0 : i32
      %dma_wait3A_293 = tpu.memref_slice %arg5[%mul3A_291, %dma_wait3A_292] : memref<100000x128xf32, #tpu.memory_space<hbm>> -> memref<128x128xf32, #tpu.memory_space<hbm>>
      %dma_wait3A_294 = arith.constant 0 : i32
      %dma_wait3A_295 = tpu.memref_slice %arg5[%mul3A_291, %dma_wait3A_294] : memref<100000x128xf32, #tpu.memory_space<hbm>> -> memref<128x128xf32, #tpu.memory_space<hbm>>
      tpu.wait_dma2 semaphore(%arg32 : memref<!tpu.dma_semaphore, #tpu.memory_space<semaphore_mem>>) src(%arg18 : memref<128x128xf32, #tpu.memory_space<vmem>>) dst(%dma_wait3A_295 : memref<128x128xf32, #tpu.memory_space<hbm>>)
      %add3A_296 = arith.constant 704 : i32
      %add3A_297 = arith.addi %add3A_88, %add3A_296 : i32
      %mul3A_298 = arith.constant 128 : i32
      %mul3A_299 = arith.muli %add3A_297, %mul3A_298 : i32
      %dma_wait3A_300 = arith.constant 0 : i32
      %dma_wait3A_301 = tpu.memref_slice %arg5[%mul3A_299, %dma_wait3A_300] : memref<100000x128xf32, #tpu.memory_space<hbm>> -> memref<128x128xf32, #tpu.memory_space<hbm>>
      %dma_wait3A_302 = arith.constant 0 : i32
      %dma_wait3A_303 = tpu.memref_slice %arg5[%mul3A_299, %dma_wait3A_302] : memref<100000x128xf32, #tpu.memory_space<hbm>> -> memref<128x128xf32, #tpu.memory_space<hbm>>
      tpu.wait_dma2 semaphore(%arg33 : memref<!tpu.dma_semaphore, #tpu.memory_space<semaphore_mem>>) src(%arg19 : memref<128x128xf32, #tpu.memory_space<vmem>>) dst(%dma_wait3A_303 : memref<128x128xf32, #tpu.memory_space<hbm>>)
      %add3A_304 = arith.constant 736 : i32
      %add3A_305 = arith.addi %add3A_88, %add3A_304 : i32
      %mul3A_306 = arith.constant 128 : i32
      %mul3A_307 = arith.muli %add3A_305, %mul3A_306 : i32
      %dma_wait3A_308 = arith.constant 0 : i32
      %dma_wait3A_309 = tpu.memref_slice %arg5[%mul3A_307, %dma_wait3A_308] : memref<100000x128xf32, #tpu.memory_space<hbm>> -> memref<128x128xf32, #tpu.memory_space<hbm>>
      %dma_wait3A_310 = arith.constant 0 : i32
      %dma_wait3A_311 = tpu.memref_slice %arg5[%mul3A_307, %dma_wait3A_310] : memref<100000x128xf32, #tpu.memory_space<hbm>> -> memref<128x128xf32, #tpu.memory_space<hbm>>
      tpu.wait_dma2 semaphore(%arg34 : memref<!tpu.dma_semaphore, #tpu.memory_space<semaphore_mem>>) src(%arg20 : memref<128x128xf32, #tpu.memory_space<vmem>>) dst(%dma_wait3A_311 : memref<128x128xf32, #tpu.memory_space<hbm>>)
      %add3A_312 = arith.constant 768 : i32
      %add3A_313 = arith.addi %add3A_88, %add3A_312 : i32
      %mul3A_314 = arith.constant 128 : i32
      %mul3A_315 = arith.muli %add3A_313, %mul3A_314 : i32
      %dma_wait3A_316 = arith.constant 0 : i32
      %dma_wait3A_317 = tpu.memref_slice %arg5[%mul3A_315, %dma_wait3A_316] : memref<100000x128xf32, #tpu.memory_space<hbm>> -> memref<128x128xf32, #tpu.memory_space<hbm>>
      %dma_wait3A_318 = arith.constant 0 : i32
      %dma_wait3A_319 = tpu.memref_slice %arg5[%mul3A_315, %dma_wait3A_318] : memref<100000x128xf32, #tpu.memory_space<hbm>> -> memref<128x128xf32, #tpu.memory_space<hbm>>
      tpu.wait_dma2 semaphore(%arg31 : memref<!tpu.dma_semaphore, #tpu.memory_space<semaphore_mem>>) src(%arg17 : memref<128x128xf32, #tpu.memory_space<vmem>>) dst(%dma_wait3A_319 : memref<128x128xf32, #tpu.memory_space<hbm>>)
    } else {
    }
    %ge3A = arith.constant 13 : i32
    %ge3A_284 = arith.cmpi sge, %add3A_88, %ge3A : i32
    %convert_element_type3A_285 = arith.extui %ge3A_284 : i1 to i32
    %cond3A_286 = arith.constant 0 : i32
    %cond3A_287 = arith.cmpi ne, %convert_element_type3A_285, %cond3A_286 : i32
    scf.if %cond3A_287 {
      %add3A_288 = arith.constant 640 : i32
      %add3A_289 = arith.addi %add3A_88, %add3A_288 : i32
      %mul3A_290 = arith.constant 128 : i32
      %mul3A_291 = arith.muli %add3A_289, %mul3A_290 : i32
      %dma_wait3A_292 = arith.constant 0 : i32
      %dma_wait3A_293 = tpu.memref_slice %arg5[%mul3A_291, %dma_wait3A_292] : memref<100000x128xf32, #tpu.memory_space<hbm>> -> memref<128x128xf32, #tpu.memory_space<hbm>>
      %dma_wait3A_294 = arith.constant 0 : i32
      %dma_wait3A_295 = tpu.memref_slice %arg5[%mul3A_291, %dma_wait3A_294] : memref<100000x128xf32, #tpu.memory_space<hbm>> -> memref<128x128xf32, #tpu.memory_space<hbm>>
      tpu.wait_dma2 semaphore(%arg31 : memref<!tpu.dma_semaphore, #tpu.memory_space<semaphore_mem>>) src(%arg17 : memref<128x128xf32, #tpu.memory_space<vmem>>) dst(%dma_wait3A_295 : memref<128x128xf32, #tpu.memory_space<hbm>>)
      %add3A_296 = arith.constant 672 : i32
      %add3A_297 = arith.addi %add3A_88, %add3A_296 : i32
      %mul3A_298 = arith.constant 128 : i32
      %mul3A_299 = arith.muli %add3A_297, %mul3A_298 : i32
      %dma_wait3A_300 = arith.constant 0 : i32
      %dma_wait3A_301 = tpu.memref_slice %arg5[%mul3A_299, %dma_wait3A_300] : memref<100000x128xf32, #tpu.memory_space<hbm>> -> memref<128x128xf32, #tpu.memory_space<hbm>>
      %dma_wait3A_302 = arith.constant 0 : i32
      %dma_wait3A_303 = tpu.memref_slice %arg5[%mul3A_299, %dma_wait3A_302] : memref<100000x128xf32, #tpu.memory_space<hbm>> -> memref<128x128xf32, #tpu.memory_space<hbm>>
      tpu.wait_dma2 semaphore(%arg32 : memref<!tpu.dma_semaphore, #tpu.memory_space<semaphore_mem>>) src(%arg18 : memref<128x128xf32, #tpu.memory_space<vmem>>) dst(%dma_wait3A_303 : memref<128x128xf32, #tpu.memory_space<hbm>>)
      %add3A_304 = arith.constant 704 : i32
      %add3A_305 = arith.addi %add3A_88, %add3A_304 : i32
      %mul3A_306 = arith.constant 128 : i32
      %mul3A_307 = arith.muli %add3A_305, %mul3A_306 : i32
      %dma_wait3A_308 = arith.constant 0 : i32
      %dma_wait3A_309 = tpu.memref_slice %arg5[%mul3A_307, %dma_wait3A_308] : memref<100000x128xf32, #tpu.memory_space<hbm>> -> memref<128x128xf32, #tpu.memory_space<hbm>>
      %dma_wait3A_310 = arith.constant 0 : i32
      %dma_wait3A_311 = tpu.memref_slice %arg5[%mul3A_307, %dma_wait3A_310] : memref<100000x128xf32, #tpu.memory_space<hbm>> -> memref<128x128xf32, #tpu.memory_space<hbm>>
      tpu.wait_dma2 semaphore(%arg33 : memref<!tpu.dma_semaphore, #tpu.memory_space<semaphore_mem>>) src(%arg19 : memref<128x128xf32, #tpu.memory_space<vmem>>) dst(%dma_wait3A_311 : memref<128x128xf32, #tpu.memory_space<hbm>>)
      %add3A_312 = arith.constant 736 : i32
      %add3A_313 = arith.addi %add3A_88, %add3A_312 : i32
      %mul3A_314 = arith.constant 128 : i32
      %mul3A_315 = arith.muli %add3A_313, %mul3A_314 : i32
      %dma_wait3A_316 = arith.constant 0 : i32
      %dma_wait3A_317 = tpu.memref_slice %arg5[%mul3A_315, %dma_wait3A_316] : memref<100000x128xf32, #tpu.memory_space<hbm>> -> memref<128x128xf32, #tpu.memory_space<hbm>>
      %dma_wait3A_318 = arith.constant 0 : i32
      %dma_wait3A_319 = tpu.memref_slice %arg5[%mul3A_315, %dma_wait3A_318] : memref<100000x128xf32, #tpu.memory_space<hbm>> -> memref<128x128xf32, #tpu.memory_space<hbm>>
      tpu.wait_dma2 semaphore(%arg34 : memref<!tpu.dma_semaphore, #tpu.memory_space<semaphore_mem>>) src(%arg20 : memref<128x128xf32, #tpu.memory_space<vmem>>) dst(%dma_wait3A_319 : memref<128x128xf32, #tpu.memory_space<hbm>>)
    } else {
    }
    return
  }
}

</mosaic_0001>

<sc_bundles>
// kernel: kernel.3.cloned.1.call-start
scs
__scs_entry_jumppad:
0x0: {  	(pc) =	sbr.rel $0x88, $3  }
0x1: {  	(tag) =	ssettag $0x0;
	lr =	simm.s32 $0x1  }
0x2: {  	[smem:$0x3F9E] =	sst lr;
	_ =	strace $0xD0000000  }
0x3: {  	_ = 	snop  }
0x4: {  	_ = 	snop  }
0x5: {  	_ = 	snop  }
0x6: {  	_ = 	snop  }
0x7: {  	_ = 	snop  }
__scs_overlays_trampoline_lowered:
0x8: {  	[smem:$0x3FAD] =	sst s0  }
0x9: {  	[smem:$0x3FAE] =	sst s1  }
0xa: {  	[smem:$0x3FAF] =	sst s2  }
0xb: {  	[smem:$0x3FB0] =	sst s3  }
0xc: {  	[smem:$0x3FB1] =	sst s4  }
0xd: {  	[smem:$0x3FB2] =	sst s5  }
0xe: {  	[smem:$0x3FB3] =	sst s6  }
0xf: {  	[smem:$0x3FB4] =	sst s7  }
0x10: {  	[smem:$0x3FB5] =	sst s8  }
0x11: {  	[smem:$0x3FB6] =	sst s9;
	s0 =	simm.s32 @!p0 $0x0  }
0x12: {  	s1 =	sld [smem:$0x3F9C];
	s0 =	simm.s32 @p0 $0x1  }
0x13: {  	[smem:$0x3FB7] =	sst s0;
	s0 =	simm.s32 @!p1 $0x0  }
0x14: {  	s2 =	sld [smem:$0x3F9B];
	s0 =	simm.s32 @p1 $0x1  }
0x15: {  	[smem:$0x3FB8] =	sst s0;
	s0 =	simm.s32 @!p2 $0x0  }
0x16: {  	s3 =	sld [smem:$0x3FDB];
	s0 =	simm.s32 @p2 $0x1  }
0x17: {  	s4 =	simm.s32 $0x1BF5;
	[smem:$0x3FBA] =	sst s0  }
0x18: {  	s0 =	sld [smem:$0x3F9D];
	_ =	swait.ge [sflag:s4], $0x0  }
0x19: {  	s7 =	sld [smem:$0x3F9E]  }
0x1a: {  	s8 =	sadd.s32 $0xFFFFE003, lr  }
0x1b: {  	s9 =	sadd.s32 $0xFFFFFEF7, lr;
	s5 =	simm.s32 $0xFFFFFFFF;
	p2 =	slt.u32 s8, $0xFFFFF086  }
0x1c: {  	p1 =	slt.u32 s9, $0xF7A;
	s5 =	simm.s32 @!p2 $0x0  }
0x1d: {  	s5 =	simm.s32 @p1 $0x1;
	p0 =	seq.s32 s7, s2  }
0x1e: {  	s7 =	smul.u32 @!p0 $0xF7A, s2;
	p2 =	seq.s32 @!p0 s5, $0x0  }
0x1f: {  	s9 =	smul.u32 $0xF7A, s1;
	s8 =	simm.s32 @!p0 $0x1BF5;
	p2 =	por !p2, p0  }
0x20: {  	[sflag:s8] =	ssyncset.s32 @!p0 $0xFFFFF086;
	s6 =	sadd.s32 @!p0 s3, s7;
	s7 =	simm.s32 @!p0 $0x108  }
0x21: {  	s3 =	sadd.s32 s3, s9;
	s6 =	sadd.s32 @!p0 $0x88, s6;
	s7 =	simm.s32 @p2 $0x1082  }
0x22: {  	[simem:s7], [sflag:s8] =	dma.local @!p0 [hbm:s6], $0xF7A  }
0x23: {  	s9 =	sor.u32 $0xD0000000, s2;
	s6 =	simm.s32 $0x108;
	_ =	swait.ge @!p0 [sflag:s8], $0x0  }
0x24: {  	s3 =	sadd.s32 $0x88, s3;
	s6 =	simm.s32 @!p1 $0x1082;
	[sflag:s4] =	ssyncset.s32 $0xFFFFF086  }
0x25: {  	[simem:s6], [sflag:s4] =	dma.local [hbm:s3], $0xF7A  }
0x26: {  	[smem:$0x3F9E] =	sst s1;
	(tag) =	ssettag s2;
	_ =	strace s9  }
0x27: {  	s1 =	sld [smem:$0x3FAE]  }
0x28: {  	s2 =	sld [smem:$0x3FAF]  }
0x29: {  	s4 =	sld [smem:$0x3FB1]  }
0x2a: {  	p0 =	seq.s32 s5, $0x0;
	s5 =	sld [smem:$0x3FB2]  }
0x2b: {  	s6 =	sld [smem:$0x3FB3]  }
0x2c: {  	s7 =	sld [smem:$0x3FB4]  }
0x2d: {  	s3 =	simm.s32 $0x108;
	s8 =	sld [smem:$0x3FB5]  }
0x2e: {  	s3 =	simm.s32 @!p0 $0x1082;
	s9 =	sld [smem:$0x3FB6]  }
0x2f: {  	lr =	sadd.s32 s0, s3;
	s0 =	sld [smem:$0x3FAD]  }
0x30: {  	s3 =	sld [smem:$0x3FB0]  }
0x31: {  	[smem:$0x3FB9] =	sst s10  }
0x32: {  	s10 =	sld [smem:$0x3FB7];
	_ =	sdelay $0x3  }
0x33: {  	p0 =	seq.s32 s10, $0x1;
	s10 =	sld [smem:$0x3FB9];
	_ =	sdelay $0x3  }
0x34: {  	[smem:$0x3FB9] =	sst s10  }
0x35: {  	s10 =	sld [smem:$0x3FB8];
	_ =	sdelay $0x3  }
0x36: {  	p1 =	seq.s32 s10, $0x1;
	s10 =	sld [smem:$0x3FB9];
	_ =	sdelay $0x3  }
0x37: {  	[smem:$0x3FB9] =	sst s10  }
0x38: {  	s10 =	sld [smem:$0x3FBA]  }
0x39: {  	_ = 	snop;
	(pc) =	sbr.ind lr, $3  }
0x3a: {  	_ = 	snop  }
0x3b: {  	_ = 	snop  }
0x3c: {  	p2 =	seq.s32 s10, $0x1;
	s10 =	sld [smem:$0x3FB9]  }
0x3d: {  	_ =	shalt  }
0x3e: {  	_ =	shalt  }
0x3f: {  	_ =	shalt  }
0x40: {  	_ =	shalt  }
0x41: {  	_ =	shalt  }
0x42: {  	_ =	shalt  }
0x43: {  	_ =	shalt  }
0x44: {  	_ =	shalt  }
0x45: {  	_ =	shalt  }
0x46: {  	_ =	shalt  }
0x47: {  	_ =	shalt  }
0x48: {  	_ =	shalt  }
0x49: {  	_ =	shalt  }
0x4a: {  	_ =	shalt  }
0x4b: {  	_ =	shalt  }
0x4c: {  	_ =	shalt  }
0x4d: {  	_ =	shalt  }
0x4e: {  	_ =	shalt  }
0x4f: {  	_ =	shalt  }
0x50: {  	_ =	shalt  }
0x51: {  	_ =	shalt  }
0x52: {  	_ =	shalt  }
0x53: {  	_ =	shalt  }
0x54: {  	_ =	shalt  }
0x55: {  	_ =	shalt  }
0x56: {  	_ =	shalt  }
0x57: {  	_ =	shalt  }
0x58: {  	_ =	shalt  }
0x59: {  	_ =	shalt  }
0x5a: {  	_ =	shalt  }
0x5b: {  	_ =	shalt  }
0x5c: {  	_ =	shalt  }
0x5d: {  	_ =	shalt  }
0x5e: {  	_ =	shalt  }
0x5f: {  	_ =	shalt  }
0x60: {  	_ =	shalt  }
0x61: {  	_ =	shalt  }
0x62: {  	_ =	shalt  }
0x63: {  	_ =	shalt  }
0x64: {  	_ =	shalt  }
0x65: {  	_ =	shalt  }
0x66: {  	_ =	shalt  }
0x67: {  	_ =	shalt  }
0x68: {  	_ =	shalt  }
0x69: {  	_ =	shalt  }
0x6a: {  	_ =	shalt  }
0x6b: {  	_ =	shalt  }
0x6c: {  	_ =	shalt  }
0x6d: {  	_ =	shalt  }
0x6e: {  	_ =	shalt  }
0x6f: {  	_ =	shalt  }
0x70: {  	_ =	shalt  }
0x71: {  	_ =	shalt  }
0x72: {  	_ =	shalt  }
0x73: {  	_ =	shalt  }
0x74: {  	_ =	shalt  }
0x75: {  	_ =	shalt  }
0x76: {  	_ =	shalt  }
0x77: {  	_ =	shalt  }
0x78: {  	_ =	shalt  }
0x79: {  	_ =	shalt  }
0x7a: {  	_ =	shalt  }
0x7b: {  	_ =	shalt  }
0x7c: {  	_ =	shalt  }
0x7d: {  	_ =	shalt  }
0x7e: {  	_ =	shalt  }
0x7f: {  	_ =	shalt  }
0x80: {  	_ =	shalt  }
0x81: {  	_ =	shalt  }
0x82: {  	_ =	shalt  }
0x83: {  	_ =	shalt  }
0x84: {  	_ =	shalt  }
0x85: {  	_ =	shalt  }
0x86: {  	_ =	shalt  }
0x87: {  	_ =	shalt  }
.Lfunc_end0:
.L_simem_size_0:
called_computation_lowered:
.L_overlay_start_0:
0x88: {  	s2 =	sld [smem:$0x3FD9]  }
0x89: {  	s3 =	sld [smem:$0x3FFE];
	_ =	sdelay $0x1  }
0x8a: {  	s1 =	srdreg.scid  }
0x8b: {  	s0 =	sand.u32 $0x1, s1  }
0x8c: {  	s18 =	sshll.u32 s0, $0xA;
	s2 =	sadd.s32 s3, s2  }
0x8d: {  	s2 =	sadd.s32 s2, s18  }
0x8e: {  	[smem:$0x3FC5] =	sst s2  }
0x8f: {  	_ = 	snop  }
0x90: {  	s2 =	sld [smem:$0x3FC9]  }
0x91: {  	s19 =	sld [smem:$0x3FC8]  }
0x92: {  	s4 =	sld [smem:$0x3FC7]  }
0x93: {  	s5 =	sld [smem:$0x3FD0];
	(tm) =	ssettm $0x1  }
0x94: {  	s6 =	sld [smem:$0x3FFB];
	_ =	sdelay $0x3  }
0x95: {  	_ =	strace s6  }
0x96: {  	s6 =	sld [smem:$0x3FFC];
	_ =	sdelay $0x3  }
0x97: {  	_ =	strace s6  }
0x98: {  	s6 =	sld [smem:$0x3FFD];
	_ =	sdelay $0x3  }
0x99: {  	_ =	strace s6  }
0x9a: {  	_ =	strace $0x8FFFFFFF  }
0x9b: {  	s20 =	sld [smem:$0x3FDB];
	_ =	sdelay $0x1  }
0x9c: {  	s7 =	simm.s32 $_scs_section_size  }
0x9d: {  	s8 =	simm.s32 $_size__tile_overlayer_lowered;
	s9 =	simm.s32 $_tile_overlayer_lowered  }
0x9e: {  	s23 =	simm.s32 $0x1BFF;
	s22 =	sshll.u32 s9, $0x1;
	s6 =	sadd.s32 s7, s20  }
0x9f: {  	s10 =	simm.s32 $0x0;
	s21 =	sshll.u32 s8, $0x1;
	s8 =	sadd.s32 s22, s6  }
0xa0: {  	[timem:s10], [sflag:s23] =	dma.local [hbm:s8], s21  }
0xa1: {  	_ =	swait.ge [sflag:s23], s21  }
0xa2: {  	s7 =	ssub.s32 $0x0, s21;
	[sflag:s23] =	ssyncset.done $0x0  }
0xa3: {  	[sflag:s23] =	ssyncadd.s32 s7;
	_ =	sdelay $0x1  }
0xa4: {  	s24 =	simm.s32 $0x1B8B  }
0xa5: {  	_ =	swait.ge [sflag:s24], $0x1  }
0xa6: {  	[sflag:s24] =	ssyncset.done $0x0  }
0xa7: {  	s25 =	simm.s32 $0x1B8E;
	[sflag:s24] =	ssyncadd.s32 $0xFFFFFFFF  }
0xa8: {  	s26 =	simm.s32 $execute0_lowered;
	[smem:$0x3FD2] =	sst s25  }
0xa9: {  	s7 =	sshll.u32 s26, $0x1;
	_ =	strace $0x80000046;
	[dreg:$0x1] =	wrdreg $0xFFFFFFFF  }
0xaa: {  	s28 =	simm.s32 $_size_execute0_lowered;
	s6 =	sadd.s32 s6, s7;
	[dreg:$0x0] =	wrdreg $0x0  }
0xab: {  	s7 =	sshll.u32 s28, $0x1;
	[dreg:$0x2] =	wrdreg s6  }
0xac: {  	[dreg:$0x3] =	wrdreg s7  }
0xad: {  	[dreg:$0x4] =	wrdreg $0xC0  }
0xae: {  	_ =	task [dreg:s10], $0x5FFFF  }
0xaf: {  	[dreg:$0x1] =	wrdreg $0xFFFFFFFF  }
0xb0: {  	[dreg:$0x0] =	wrdreg $0x60  }
0xb1: {  	[dreg:$0x2] =	wrdreg s2  }
0xb2: {  	[dreg:$0x3] =	wrdreg s19  }
0xb3: {  	[dreg:$0x4] =	wrdreg s4  }
0xb4: {  	[dreg:$0x5] =	wrdreg s5  }
0xb5: {  	[dreg:$0x6] =	wrdreg $0x1A880  }
0xb6: {  	[dreg:$0x7] =	wrdreg $0x1A800  }
0xb7: {  	[dreg:$0x8] =	wrdreg $0x9  }
0xb8: {  	_ =	task.clear_ibuf [dreg:s10], $0x9FFFF;
	_ =	strace $0x90000046  }
0xb9: {  	s29 =	simm.s32 $0x9;
	_ =	strace $0x80000048  }
0xba: {  	_ =	swait.ge [sflag:s29], $0x1  }
0xbb: {  	[sflag:s29] =	ssyncadd.s32 $0xFFFFFFFF  }
0xbc: {  	_ =	strace $0x90000048  }
0xbd: {  	_ =	sfence  }
0xbe: {  	s30 =	sld [smem:$0x0];
	_ =	sdelay $0x2  }
0xbf: {  	s31 =	sshll.u32 s1, $0xD;
	s1 =	sshrl.u32 s1, $0x2  }
0xc0: {  	s3 =	sand.u32 $0x4000, s31;
	s1 =	sadd.s32 s1, s30  }
0xc1: {  	s0 =	sor.u32 s3, s0;
	s1 =	sshll.u32 s1, $0x11  }
0xc2: {  	s0 =	sor.u32 s1, s0  }
0xc3: {  	s0 =	sadd.s32 $0x8F2B, s0  }
0xc4: {  	[sflag:s0] =	ssyncadd.remote.s32 $0x1  }
0xc5: {  	_ =	sfence.sel $0xFFFF  }
0xc6: {  	[dreg:$0x0] =	wrdreg $0xFFFFFFFF;
	(pc) =	sbr.abs _section_cstart, $3  }
0xc7: {  	[dreg:$0x1] =	wrdreg $0xFFFFFFFF  }
0xc8: {  	_ =	task.clear_ibuf [dreg:s10], $0x2FFFF;
	_ =	strace $0x9FFFFFFF  }
0xc9: {  	(tm) =	ssettm $0x7FFFFFFF  }
tec
execute0_lowered:
.L_overlay_start_1:
0x0: {  	(tag) =	ssettag $0x1  }
0x1: {  	s1 =	rddreg [dreg:$0x0]  }
0x2: {  	s0 =	rddreg [dreg:$0x1]  }
0x3: {  	s3 =	rddreg [dreg:$0x2]  }
0x4: {  	s5 =	rddreg [dreg:$0x3]  }
0x5: {  	s2 =	rddreg [dreg:$0x4];
	s4 =	srdreg.scid  }
0x6: {  	s9 =	stileid.u32;
	s29 =	simm.s32 $0x5;
	s30 =	simm.s32 $0x11C88  }
0x7: {  	s31 =	simm.s32 $0x6;
	s6 =	sand.u32 $0x1, s4;
	s4 =	simm.s32 $0x0  }
0x8: {  	s14 =	sshll.u32 s9, $0xF;
	s10 =	sshll.u32 s9, $0xC;
	s20 =	smul.u32 $0x1870, s9  }
0x9: {  	s15 =	sshll.u32 s9, $0x1;
	s12 =	sshll.u32 s9, $0x6;
	s18 =	sadd.s32 $0x186800, s1  }
0xa: {  	s19 =	sadd.s32 $0x186800, s5;
	s25 =	sshll.u32 s9, $0x8;
	p0 =	sne.s32 s9, $0x0  }
0xb: {  	s7 =	ssub.s32 $0x2, s6;
	[smem:$0x7FF] =	sst s4;
	s3 =	sadd.s32 s3, s10  }
0xc: {  	s12 =	sor.u32 $0x1C0F, s12;
	_ =	strace $0x80000047;
	[dreg:$0x9] =	wrdreg s3  }
0xd: {  	s11 =	sadd.s32 s14, s2;
	s5 =	sadd.s32 s10, s5;
	[dreg:$0xa] =	wrdreg s12  }
0xe: {  	s26 =	sshll.u32 s6, $0x7;
	p3 =	seq.s32 @p0 s9, $0xF;
	[dreg:$0xc] =	wrdreg s18  }
0xf: {  	s8 =	sshrl.u32 s7, $0x1;
	s16 =	sadd.s32 $0xFFFFFFF0, s20;
	[dreg:$0xd] =	wrdreg s19  }
0x10: {  	s3 =	sor.u32 s6, s15;
	[dreg:$0x11] =	wrdreg s5;
	s18 =	sor.u32 s26, s25  }
0x11: {  	s5 =	simm.s32 $0xD;
	s19 =	sadd.s32 $0x30D0, s0;
	[dreg:$0x8] =	wrdreg s20  }
0x12: {  	s8 =	ssub.s32 s7, s8;
	s13 =	sshrl.u32 s16, $0x3;
	p2 =	slt.u32 s3, $0xD  }
0x13: {  	s7 =	simm.s32 $0x19;
	s12 =	sshll.u32 s3, $0x7;
	s21 =	sshll.u32 s3, $0x4  }
0x14: {  	s14 =	sshll.u32 s3, $0xB;
	p1 =	sne.s32 s3, $0x1F;
	s3 =	simm.s32 $0xB  }
0x15: {  	s9 =	sor.u32 $0x2000, s18;
	s16 =	sshrl.u32 s11, $0x3;
	[dreg:$0x1e] =	wrdreg s19  }
0x16: {  	s11 =	simm.s32 $0xDC88;
	s17 =	sadd.s32 s0, s13;
	s7 =	simm.s32 @!p2 $0x18  }
0x17: {  	s15 =	sor.u32 $0x1000, s12;
	s13 =	sadd.s32 s0, s21;
	[dreg:$0x1c] =	wrdreg s16  }
0x18: {  	s22 =	sadd.s32 s1, s14;
	s8 =	smax.u32 s8, $0x1;
	[dreg:$0xb] =	wrdreg s17  }
0x19: {  	s5 =	simm.s32 @!p2 $0xC;
	s3 =	simm.s32 @!p2 $0xE;
	[dreg:$0xe] =	wrdreg s13  }
0x1a: {  	s21 =	sor.u32 $0x10, s12;
	s25 =	sor.u32 $0x30, s12;
	[dreg:$0xf] =	wrdreg s22  }
0x1b: {  	s26 =	sor.u32 $0x40, s12;
	s16 =	sor.u32 $0x60, s12;
	[dreg:$0x16] =	wrdreg s8  }
0x1c: {  	v0 =	vlaneseq.u32;
	s19 =	sor.u32 $0x70, s12;
	s23 =	sshll.u32 s15, $0x4;
	[dreg:$0x15] =	wrdreg s5  }
0x1d: {  	v1 =	vadd.s32 $0x1, v0;
	s24 =	sshrl.u32 s15, $0x3;
	[dreg:$0x18] =	wrdreg s3;
	s17 =	sadd.s32 $0x2DD0, s0  }
0x1e: {  	s22 =	simm.s32 $0x10;
	v3 =	vadd.s32 s21, v1;
	v8 =	vor.u32 s16, v1;
	s16 =	simm.s32 $0x4;
	s21 =	simm.s32 $0x9C08  }
0x1f: {  	v5 =	vadd.s32 s25, v1;
	s25 =	simm.s32 $0x15C88;
	s13 =	sadd.s32 s1, s23;
	[dreg:$0x1d] =	wrdreg s17  }
0x20: {  	s1 =	sadd.s32 s10, s1;
	s28 =	sadd.s32 s0, s24;
	[dreg:$0x10] =	wrdreg s13  }
0x21: {  	s24 =	sshll.u32 s6, $0xB;
	s10 =	sor.u32 $0x3000, s18;
	[dreg:$0x12] =	wrdreg s1  }
0x22: {  	s23 =	sor.u32 $0x20, s12;
	s17 =	simm.s32 $0x9B88;
	[dreg:$0x13] =	wrdreg s28  }
0x23: {  	s1 =	simm.s32 $0xC;
	s13 =	sor.u32 $0x5000, s18;
	s3 =	sshrl.u32 s10, $0x3  }
0x24: {  	v2 =	vor.u32 s12, v1;
	s28 =	sor.u32 $0x50, s12;
	s10 =	simm.s32 $0x9C88;
	s12 =	simm.s32 $0x1  }
0x25: {  	s1 =	simm.s32 @!p2 $0xB;
	s5 =	sshrl.u32 s13, $0x3;
	s14 =	sadd.s32 s3, s0  }
0x26: {  	s13 =	simm.s32 $0x3;
	[dreg:$0x14] =	wrdreg s1;
	s1 =	simm.s32 $0xE  }
0x27: {  	[dreg:$0x1a] =	wrdreg s14;
	s15 =	sadd.s32 s5, s0;
	s1 =	simm.s32 @!p2 $0xD  }
.Ltmp0:
0x28: {  	[dreg:$0x17] =	wrdreg s1;
	s1 =	sshrl.u32 s9, $0x3;
	(pc) =	sbr.rel .LBB2_1-.Ltmp0, $4  }
0x29: {  	p2 =	por !p3, !p0;
	p3 =	por p3, !p0;
	s1 =	sadd.s32 s1, s0  }
0x2a: {  	v10 =	vimm.s32 $0x0;
	v11 =	vor.u32 $0x10, v0;
	s14 =	simm.s32 $0x80;
	[dreg:$0x19] =	wrdreg s1;
	s1 =	simm.s32 @!p3 $0x0  }
0x2b: {  	v12 =	vor.u32 $0x20, v0;
	v13 =	vor.u32 $0x30, v0;
	v6 =	vor.u32 s26, v1;
	[dreg:$0x1b] =	wrdreg s15;
	s15 =	simm.s32 $0x2;
	s1 =	simm.s32 @p3 $0x1  }
0x2c: {  	v9 =	vadd.s32 s19, v1;
	v4 =	vor.u32 s23, v1;
	v7 =	vadd.s32 s28, v1;
	s9 =	simm.s32 $0x1A00;
	[smem:$0x7FD] =	sst s1;
	s1 =	simm.s32 $0x1880  }
.LBB2_16:
0x2d: {  	s3 =	rddreg [dreg:$0x14]  }
0x2e: {  	_ =	swait.ge [sflag:s3], $0x4000  }
0x2f: {  	[sflag:s3] =	ssyncset.done $0x0  }
0x30: {  	s23 =	rddreg [dreg:$0x15];
	[sflag:s3] =	ssyncadd.s32 $0xFFFFC000  }
0x31: {  	_ =	swait.ge [sflag:s23], $0x4000  }
0x32: {  	[sflag:s23] =	ssyncset.done $0x0  }
0x33: {  	s26 =	rddreg [dreg:$0x17];
	[sflag:s23] =	ssyncadd.s32 $0xFFFFC000  }
0x34: {  	_ =	swait.ge [sflag:s26], $0x4000  }
0x35: {  	[sflag:s26] =	ssyncset.done $0x0  }
0x36: {  	s5 =	rddreg [dreg:$0x18];
	[sflag:s26] =	ssyncadd.s32 $0xFFFFC000  }
0x37: {  	_ =	swait.ge [sflag:s5], $0x4000  }
0x38: {  	s4 =	rddreg [dreg:$0x7]  }
0x39: {  	s28 =	rddreg [dreg:$0x16];
	s4 =	sadd.s32 $0x1, s4  }
0x3a: {  	p3 =	sne.s32 s4, s28  }
.Ltmp1:
0x3b: {  	_ = 	snop;
	(pc) =	sbr.rel @!p3 .LBB2_17-.Ltmp1, $3  }
0x3c: {  	_ =	sdelay $0x1  }
0x3d: {  	[sflag:s5] =	ssyncset.done $0x0  }
0x3e: {  	s22 =	simm.s32 $0x10;
	s20 =	rddreg [dreg:$0x8];
	[sflag:s5] =	ssyncadd.s32 $0xFFFFC000  }
.LBB2_1:
0x3f: {  	s3 =	rddreg [dreg:$0x9]  }
0x40: {  	s5 =	rddreg [dreg:$0xa]  }
0x41: {  	s6 =	rddreg [dreg:$0x1c]  }
0x42: {  	[spmem:s6], [sflag:s5] =	dma.local [hbm:s3], $0x1000;
	[tilespmem:$0x1880] =	vst v10  }
0x43: {  	[tilespmem:$0x1980] =	vst v10  }
0x44: {  	[tilespmem:$0x1900] =	vst v0  }
0x45: {  	[tilespmem:$0x1890] =	vst v10  }
0x46: {  	[tilespmem:$0x1990] =	vst v10  }
0x47: {  	[tilespmem:$0x1910] =	vst v11  }
0x48: {  	[tilespmem:$0x18A0] =	vst v10  }
0x49: {  	[tilespmem:$0x19A0] =	vst v10  }
0x4a: {  	[tilespmem:$0x1920] =	vst v12  }
0x4b: {  	[tilespmem:$0x18B0] =	vst v10  }
0x4c: {  	[tilespmem:$0x19B0] =	vst v10  }
0x4d: {  	[tilespmem:$0x1930] =	vst v13;
	s3 =	simm.s32 @!p2 $0x0;
	s5 =	rddreg [dreg:$0x1d]  }
0x4e: {  	[tilespmem:s3], [sflag:$0x10] =	stream.linear.gather @!p2 [hbm4b:s5+s3], $0x1820, $0x38;
	[tilespmem:$0x19C88] =	vst v63  }
0x4f: {  	s3 =	simm.s32 @!p2 $0x10  }
0x50: {  	_ =	swait.ge @!p2 [sflag:s3], $0x1820  }
0x51: {  	s28 =	sld [smem:$0x7FD];
	_ =	sdelay $0x2  }
0x52: {  	[sflag:s3] =	ssyncset.done @!p2 $0x0;
	p3 =	seq.s32 s28, $0x1  }
0x53: {  	s5 =	rddreg [dreg:$0xb];
	[sflag:s3] =	ssyncadd.s32 @!p2 $0xFFFFE7E0;
	s3 =	simm.s32 @!p3 $0x0  }
0x54: {  	[tilespmem:s3], [sflag:$0x10] =	stream.linear.gather @!p3 [hbm4b:s5+s3], $0x1880, $0x38;
	[tilespmem:$0x19C88] =	vst v63  }
0x55: {  	s3 =	simm.s32 @!p3 $0x10  }
0x56: {  	_ =	swait.ge @!p3 [sflag:s3], $0x1880  }
0x57: {  	[sflag:s3] =	ssyncset.done @!p3 $0x0  }
0x58: {  	v14 =	vimm.s32 @!p0 $0xFFFFFFFF;
	[sflag:s3] =	ssyncadd.s32 @!p3 $0xFFFFE780  }
0x59: {  	s5 =	simm.s32 @!p0 $0x0;
	s3 =	simm.s32 @!p0 $0x10;
	[tilespmem:$0x0] =	vst @!p0 v14  }
0x5a: {  	[tilespmem:s3], [sflag:$0x10] =	stream.linear.gather @!p0 [hbm4b:s0+s5], $0x1870, $0x38;
	[tilespmem:$0x19C88] =	vst v63  }
0x5b: {  	s5 =	simm.s32 @!p2 $0x181  }
0x5c: {  	s5 =	simm.s32 @p2 $0x187  }
0x5d: {  	s5 =	simm.s32 @!p0 $0x187  }
0x5e: {  	p5 =	sne.s32 s5, $0x1  }
.Ltmp2:
0x5f: {  	_ =	swait.ge @!p0 [sflag:s3], $0x1870;
	(pc) =	sbr.rel @!p5 .LBB2_2-.Ltmp2, $4  }
0x60: {  	[sflag:s3] =	ssyncset.done @!p0 $0x0  }
0x61: {  	[sflag:s3] =	ssyncadd.s32 @!p0 $0xFFFFE790  }
0x62: {  	v14 =	vld [tilespmem:s22+$0x0]  }
0x63: {  	p4 =	por $0x0, $0x0;
	[dreg:$0x7] =	wrdreg s4;
	s5 =	sadd.s32 $0xFFFFFFFF, s5;
	v15 =	vld [tilespmem:s22+$0xFFFFFFFF]  }
0x64: {  	_ =	sdelay $0x3  }
0x65: {  	vm0 =	vne.s32 v15, v14;
	_ =	sdelay $0x2  }
0x66: {  	p5 =	sne.s32 s5, $0x1  }
.Ltmp3:
0x67: {  	_ = 	snop;
	(pc) =	sbr.rel @!p5 .LBB2_4-.Ltmp3, $4  }
0x68: {  	v15 =	vadd.s32 s20, v1  }
0x69: {  	s8 =	simm.s32 $0x20;
	[tilespmem:v14+s1+$0x0] =	vst.idx.msk vm0, v15  }
0x6a: {  	v14 =	vld [tilespmem:s8+$0x0]  }
0x6b: {  	s19 =	sadd.s32 $0xFFFFFFFF, s5;
	p4 =	por $0x1, $0x1;
	s5 =	smov.u32 s20;
	v15 =	vld [tilespmem:s8+$0xFFFFFFFF]  }
.LBB2_5:
0x6c: {  	p5 =	sne.s32 s19, $0x1;
	_ =	sdelay $0x3  }
0x6d: {  	vm0 =	vne.s32 v15, v14;
	_ =	sdelay $0x3  }
.Ltmp4:
0x6e: {  	s5 =	sadd.s32 $0x10, s5;
	(pc) =	sbr.rel @p5 .LBB2_5-.Ltmp4, $4  }
0x6f: {  	v15 =	vadd.s32 s5, v1  }
0x70: {  	s8 =	sadd.s32 $0x10, s8;
	[tilespmem:v14+s1+$0x0] =	vst.idx.msk vm0, v15  }
0x71: {  	v14 =	vld [tilespmem:s8+$0x0]  }
0x72: {  	s19 =	sadd.s32 $0xFFFFFFFF, s19;
	v15 =	vld [tilespmem:s8+$0xFFFFFFFF]  }
.LBB2_6:
0x73: {  	_ =	sdelay $0x3  }
0x74: {  	vm0 =	vne.s32 v15, v14;
	_ =	sdelay $0x2  }
0x75: {  	s5 =	sadd.s32 @p4 $0x10, s5;
	s8 =	smov.u32 s20  }
0x76: {  	s8 =	smov.u32 @p4 s5  }
0x77: {  	v15 =	vadd.s32 s8, v1  }
0x78: {  	s4 =	rddreg [dreg:$0x5];
	s5 =	simm.s32 @!p0 $0x1980;
	[tilespmem:v14+s1+$0x0] =	vst.idx.msk vm0, v15  }
0x79: {  	[spmem:s4] =	stream.linear.scatter @!p0 [tilespmem:s5], [sflag:$0x10], $0x80, $0x38;
	[tilespmem:$0x19C88] =	vst v63  }
0x7a: {  	_ =	swait.ge @!p0 [sflag:s3], $0x80  }
0x7b: {  	[sflag:s3] =	ssyncset.done @!p0 $0x0  }
0x7c: {  	[sflag:s3] =	ssyncadd.s32 @!p0 $0xFFFFFF80  }
0x7d: {  	s23 =	simm.s32 $0x40;
	s26 =	simm.s32 $0x1900;
	[bflag:$0x0] =	sbarrier.arrive $0xFFFF  }
0x7e: {  	[spmem:s4] =	stream.indirect.scatter.add.s32 [tilespmem:s1], [sflag:$0x10], $0x1, s26, s23, $0xb8;
	[tilespmem:$0x19C88] =	vst v63  }
0x7f: {  	_ =	swait.ge [sflag:s22], $0x40  }
0x80: {  	[sflag:s22] =	ssyncset.done $0x0  }
0x81: {  	s5 =	simm.s32 $0xF;
	[sflag:s22] =	ssyncadd.s32 $0xFFFFFFC0  }
0x82: {  	_ =	swait.ge [sflag:s5], $0x1000  }
0x83: {  	[sflag:s5] =	ssyncset.done $0x0  }
0x84: {  	[sflag:s5] =	ssyncadd.s32 $0xFFFFF000  }
0x85: {  	[bflag:$0x0] =	sbarrier.arrive $0xFFFF  }
0x86: {  	[tilespmem:s9], [sflag:$0x10] =	stream.linear.gather [spmem:s4], $0x80, $0x38;
	[tilespmem:$0x19C88] =	vst v63  }
0x87: {  	_ =	swait.ge [sflag:s22], $0x80  }
0x88: {  	s3 =	simm.s32 @!p1 $0x0;
	[sflag:s22] =	ssyncset.done $0x0  }
0x89: {  	s5 =	simm.s32 @!p1 $0x9A88;
	s4 =	rddreg [dreg:$0x1e];
	[sflag:s22] =	ssyncadd.s32 $0xFFFFFF80  }
0x8a: {  	[tilespmem:s5], [sflag:$0x10] =	stream.linear.gather @!p1 [hbm4b:s4+s3], $0x20, $0x38;
	[tilespmem:$0x19C88] =	vst v63  }
0x8b: {  	s5 =	simm.s32 @!p1 $0x10  }
0x8c: {  	_ =	swait.ge @!p1 [sflag:s5], $0x20  }
0x8d: {  	[sflag:s5] =	ssyncset.done @!p1 $0x0  }
0x8e: {  	s8 =	simm.s32 @!p1 $0x9C88;
	s4 =	rddreg [dreg:$0xc];
	[sflag:s5] =	ssyncadd.s32 @!p1 $0xFFFFFFE0  }
0x8f: {  	[tilespmem:s8], [sflag:$0x10] =	stream.linear.gather @!p1 [hbm4b:s4+s3], $0x1000, $0x38;
	[tilespmem:$0x19C88] =	vst v63  }
0x90: {  	_ =	swait.ge @!p1 [sflag:s5], $0x1000  }
0x91: {  	[sflag:s5] =	ssyncset.done @!p1 $0x0  }
0x92: {  	[sflag:s5] =	ssyncadd.s32 @!p1 $0xFFFFF000  }
0x93: {  	v14 =	vld @!p1 [tilespmem:$0x9A88];
	_ =	sdelay $0x6  }
0x94: {  	s19 =	simm.s32 @!p1 $0x1A00  }
0x95: {  	v14 =	vld.idx.msk @!p1 [tilespmem:v14+s19+$0x0], $0xffff  }
0x96: {  	v15 =	vld @!p1 [tilespmem:$0x9A98];
	_ =	sdelay $0x1  }
0x97: {  	v16 =	vlaneseq.u32 @!p1  }
0x98: {  	v17 =	vadd.s32 @!p1 $0x18681, v16  }
0x99: {  	v14 =	vsub.s32 @!p1 v17, v14  }
0x9a: {  	vm0 =	vlt.s32 @!p1 v14, $0xFFF  }
0x9b: {  	v14 =	vnsel @!p1 vm0, $0xFFF, v14  }
0x9c: {  	[tilespmem:$0x9B88] =	vst @!p1 v14  }
0x9d: {  	v14 =	vld.idx.msk @!p1 [tilespmem:v15+s19+$0x0], $0xffff;
	_ =	sdelay $0x3  }
0x9e: {  	v15 =	vadd.s32 @!p1 $0x18691, v16  }
0x9f: {  	v14 =	vsub.s32 @!p1 v15, v14  }
0xa0: {  	vm0 =	vlt.s32 @!p1 v14, $0xFFF  }
0xa1: {  	v14 =	vnsel @!p1 vm0, $0xFFF, v14  }
0xa2: {  	s20 =	simm.s32 @!p1 $0x9B88;
	s19 =	simm.s32 @!p1 $0x20;
	[tilespmem:$0x9B98] =	vst @!p1 v14  }
0xa3: {  	[tilespmem:s8], [sflag:$0x7] =	stream.indirect.gather.add.f32 @!p1 [spmem:s2], $0x80, s20, s19, $0xb8;
	[tilespmem:$0x19C88] =	vst v63  }
0xa4: {  	s19 =	simm.s32 @!p1 $0x7  }
0xa5: {  	_ =	swait.ge @!p1 [sflag:s19], $0x1000  }
0xa6: {  	[sflag:s19] =	ssyncset.done @!p1 $0x0  }
0xa7: {  	s4 =	rddreg [dreg:$0xd];
	[sflag:s19] =	ssyncadd.s32 @!p1 $0xFFFFF000  }
0xa8: {  	[hbm4b:s4+s3] =	stream.linear.scatter @!p1 [tilespmem:s8], [sflag:$0x10], $0x1000, $0x38;
	[tilespmem:$0x19C88] =	vst v63  }
0xa9: {  	_ =	swait.ge @!p1 [sflag:s5], $0x1000  }
0xaa: {  	s26 =	simm.s32 $0x0;
	[sflag:s5] =	ssyncset.done @!p1 $0x0  }
0xab: {  	s8 =	simm.s32 $0x9A88;
	s6 =	rddreg [dreg:$0xe];
	[sflag:s5] =	ssyncadd.s32 @!p1 $0xFFFFF000  }
0xac: {  	[tilespmem:s8], [sflag:$0x1] =	stream.linear.gather [hbm4b:s6+s26], $0x80, $0x38;
	[tilespmem:$0x19C88] =	vst v63  }
0xad: {  	s19 =	rddreg [dreg:$0xf]  }
0xae: {  	[tilespmem:s10], [sflag:$0x3] =	stream.linear.gather [hbm4b:s19+s26], $0x4000, $0x38;
	[tilespmem:$0x19C88] =	vst v63  }
0xaf: {  	s22 =	simm.s32 $0x9B08;
	s20 =	rddreg [dreg:$0x13]  }
0xb0: {  	[tilespmem:s22], [sflag:$0x2] =	stream.linear.gather [hbm4b:s20+s26], $0x80, $0x38;
	[tilespmem:$0x19C88] =	vst v63  }
0xb1: {  	s23 =	rddreg [dreg:$0x10]  }
0xb2: {  	[tilespmem:s11], [sflag:$0x4] =	stream.linear.gather [hbm4b:s23+s26], $0x4000, $0x38;
	[tilespmem:$0x19C88] =	vst v63  }
0xb3: {  	_ =	swait.ge [sflag:s12], $0x80  }
0xb4: {  	[sflag:s12] =	ssyncset.done $0x0  }
0xb5: {  	[sflag:s12] =	ssyncadd.s32 $0xFFFFFF80  }
0xb6: {  	v14 =	vld [tilespmem:$0x9A88];
	_ =	sdelay $0x7  }
0xb7: {  	v14 =	vld.idx.msk [tilespmem:v14+s9+$0x0], $0xffff  }
0xb8: {  	v15 =	vld [tilespmem:$0x9A98];
	_ =	sdelay $0x3  }
0xb9: {  	v14 =	vsub.s32 v2, v14  }
0xba: {  	vm8 =	vlt.s32 v14, $0xFFF  }
0xbb: {  	v14 =	vnsel vm8, $0xFFF, v14  }
0xbc: {  	[tilespmem:$0x9B88] =	vst v14  }
0xbd: {  	v14 =	vld.idx.msk [tilespmem:v15+s9+$0x0], $0xffff  }
0xbe: {  	v15 =	vld [tilespmem:$0x9AA8];
	_ =	sdelay $0x3  }
0xbf: {  	v14 =	vsub.s32 v3, v14  }
0xc0: {  	vm9 =	vlt.s32 v14, $0xFFF  }
0xc1: {  	v14 =	vnsel vm9, $0xFFF, v14  }
0xc2: {  	[tilespmem:$0x9B98] =	vst v14  }
0xc3: {  	v14 =	vld.idx.msk [tilespmem:v15+s9+$0x0], $0xffff  }
0xc4: {  	v15 =	vld [tilespmem:$0x9AB8];
	_ =	sdelay $0x3  }
0xc5: {  	v14 =	vsub.s32 v4, v14  }
0xc6: {  	vm10 =	vlt.s32 v14, $0xFFF  }
0xc7: {  	v14 =	vnsel vm10, $0xFFF, v14  }
0xc8: {  	[tilespmem:$0x9BA8] =	vst v14  }
0xc9: {  	v14 =	vld.idx.msk [tilespmem:v15+s9+$0x0], $0xffff  }
0xca: {  	v15 =	vld [tilespmem:$0x9AC8];
	_ =	sdelay $0x3  }
0xcb: {  	v14 =	vsub.s32 v5, v14  }
0xcc: {  	vm11 =	vlt.s32 v14, $0xFFF  }
0xcd: {  	v14 =	vnsel vm11, $0xFFF, v14  }
0xce: {  	[tilespmem:$0x9BB8] =	vst v14  }
0xcf: {  	v14 =	vld.idx.msk [tilespmem:v15+s9+$0x0], $0xffff  }
0xd0: {  	v15 =	vld [tilespmem:$0x9AD8];
	_ =	sdelay $0x3  }
0xd1: {  	v14 =	vsub.s32 v6, v14  }
0xd2: {  	vm12 =	vlt.s32 v14, $0xFFF  }
0xd3: {  	v14 =	vnsel vm12, $0xFFF, v14  }
0xd4: {  	[tilespmem:$0x9BC8] =	vst v14  }
0xd5: {  	v14 =	vld.idx.msk [tilespmem:v15+s9+$0x0], $0xffff  }
0xd6: {  	v15 =	vld [tilespmem:$0x9AE8];
	_ =	sdelay $0x3  }
0xd7: {  	v14 =	vsub.s32 v7, v14  }
0xd8: {  	vm13 =	vlt.s32 v14, $0xFFF  }
0xd9: {  	v14 =	vnsel vm13, $0xFFF, v14  }
0xda: {  	[tilespmem:$0x9BD8] =	vst v14  }
0xdb: {  	v14 =	vld.idx.msk [tilespmem:v15+s9+$0x0], $0xffff  }
0xdc: {  	v15 =	vld [tilespmem:$0x9AF8];
	_ =	sdelay $0x3  }
0xdd: {  	v14 =	vsub.s32 v8, v14  }
0xde: {  	vm14 =	vlt.s32 v14, $0xFFF  }
0xdf: {  	v14 =	vnsel vm14, $0xFFF, v14  }
0xe0: {  	[tilespmem:$0x9BE8] =	vst v14  }
0xe1: {  	v14 =	vld.idx.msk [tilespmem:v15+s9+$0x0], $0xffff;
	_ =	sdelay $0x4  }
0xe2: {  	v14 =	vsub.s32 v9, v14  }
0xe3: {  	vm15 =	vlt.s32 v14, $0xFFF  }
0xe4: {  	v14 =	vnsel vm15, $0xFFF, v14  }
0xe5: {  	[tilespmem:$0x9BF8] =	vst v14  }
0xe6: {  	_ =	swait.ge [sflag:s13], $0x4000  }
0xe7: {  	s28 =	rddreg [dreg:$0x1b]  }
.Ltmp5:
0xe8: {  	s3 =	rddreg [dreg:$0x1a];
	(pc) =	sbr.rel .LBB2_7-.Ltmp5, $4  }
0xe9: {  	s8 =	rddreg [dreg:$0x19]  }
0xea: {  	[sflag:s13] =	ssyncset.done $0x0;
	s5 =	rddreg [dreg:$0x12]  }
0xeb: {  	s20 =	simm.s32 $0x0;
	s19 =	rddreg [dreg:$0x11];
	[sflag:s13] =	ssyncadd.s32 $0xFFFFC000  }
0xec: {  	[tilespmem:s10], [sflag:$0x7] =	stream.indirect.gather.add.f32 [spmem:s2], $0x80, s17, s14, $0xb8;
	[tilespmem:$0x19C88] =	vst v63  }
.LBB2_15:
0xed: {  	s20 =	sadd.s32 $0x4000, s20  }
0xee: {  	p3 =	sne.s32 s20, $0x1C000  }
.Ltmp6:
0xef: {  	_ = 	snop;
	(pc) =	sbr.rel @!p3 .LBB2_16-.Ltmp6, $3  }
0xf0: {  	_ =	sdelay $0x1  }
0xf1: {  	s19 =	sadd.s32 $0x40000, s19;
	s26 =	sadd.s32 $0x4, s26;
	s5 =	sadd.s32 $0x40000, s5  }
0xf2: {  	s8 =	sadd.s32 $0x800, s8;
	s3 =	sadd.s32 $0x800, s3;
	s28 =	sadd.s32 $0x800, s28  }
.LBB2_7:
0xf3: {  	p4 =	sge.u32 s26, s7  }
0xf4: {  	s22 =	simm.s32 @!p4 $0x7  }
0xf5: {  	_ =	swait.ge @!p4 [sflag:s22], $0x4000  }
0xf6: {  	s23 =	simm.s32 @!p4 $0x0;
	[sflag:s22] =	ssyncset.done @!p4 $0x0  }
0xf7: {  	s6 =	simm.s32 @!p4 $0x9C88;
	[sflag:s22] =	ssyncadd.s32 @!p4 $0xFFFFC000;
	s22 =	sadd.s32 @!p4 s19, s24  }
0xf8: {  	[hbm4b:s22+s23] =	stream.linear.scatter @!p4 [tilespmem:s6], [sflag:$0xB], $0x4000, $0x38;
	[tilespmem:$0x19C88] =	vst v63  }
0xf9: {  	s6 =	sadd.s32 @!p4 $0x2, s26  }
0xfa: {  	p5 =	sge.u32 @!p4 s6, s7  }
0xfb: {  	p6 =	por p5, p4  }
0xfc: {  	p3 =	seq.s32 @!p6 s20, $0x0  }
0xfd: {  	p3 =	por @!p4 p3, p5  }
0xfe: {  	p3 =	por p3, p4  }
0xff: {  	s6 =	simm.s32 @!p3 $0xD  }
0x100: {  	_ =	swait.ge @!p3 [sflag:s6], $0x4000  }
0x101: {  	[sflag:s6] =	ssyncset.done @!p3 $0x0  }
0x102: {  	s22 =	simm.s32 @!p6 $0x9A88;
	[sflag:s6] =	ssyncadd.s32 @!p3 $0xFFFFC000;
	s6 =	simm.s32 @!p6 $0x0  }
0x103: {  	[tilespmem:s22], [sflag:$0x1] =	stream.linear.gather @!p6 [hbm4b:s8+s6], $0x80, $0x38;
	[tilespmem:$0x19C88] =	vst v63  }
0x104: {  	s22 =	sadd.s32 @!p6 s5, s24  }
0x105: {  	s23 =	simm.s32 @!p6 $0x11C88;
	s22 =	sadd.s32 @!p6 $0x20000, s22  }
0x106: {  	[tilespmem:s23], [sflag:$0x5] =	stream.linear.gather @!p6 [hbm4b:s22+s6], $0x4000, $0x38;
	[tilespmem:$0x19C88] =	vst v63  }
0x107: {  	s6 =	sadd.s32 @!p4 $0x1, s26  }
0x108: {  	p3 =	sge.u32 @!p4 s6, s7  }
0x109: {  	p3 =	por p4, p3  }
.Ltmp7:
0x10a: {  	_ = 	snop;
	(pc) =	sbr.rel @p3 .LBB2_9-.Ltmp7, $2  }
0x10b: {  	_ =	sdelay $0x2  }
0x10c: {  	s22 =	sadd.s32 s20, s18  }
0x10d: {  	_ =	swait.ge [sflag:s15], $0x80  }
0x10e: {  	[sflag:s15] =	ssyncset.done $0x0  }
0x10f: {  	[sflag:s15] =	ssyncadd.s32 $0xFFFFFF80  }
0x110: {  	v14 =	vld [tilespmem:$0x9B08];
	_ =	sdelay $0x7  }
0x111: {  	v14 =	vld.idx.msk [tilespmem:v14+s9+$0x0], $0xffff  }
0x112: {  	v15 =	vld [tilespmem:$0x9B18];
	_ =	sdelay $0x1  }
0x113: {  	s6 =	sadd.s32 $0x1000, s22  }
0x114: {  	v16 =	vor.u32 s6, v1  }
0x115: {  	v14 =	vsub.s32 v16, v14  }
0x116: {  	vm0 =	vlt.s32 v14, $0xFFF  }
0x117: {  	v14 =	vnsel vm0, $0xFFF, v14  }
0x118: {  	[tilespmem:$0x9C08] =	vst v14  }
0x119: {  	v14 =	vld.idx.msk [tilespmem:v15+s9+$0x0], $0xffff;
	_ =	sdelay $0x1  }
0x11a: {  	v15 =	vld [tilespmem:$0x9B28];
	_ =	sdelay $0x1  }
0x11b: {  	s23 =	sadd.s32 $0x1010, s22  }
0x11c: {  	v14 =	vsub.s32 s23, v14  }
0x11d: {  	v14 =	vadd.s32 v1, v14  }
0x11e: {  	vm9 =	vlt.s32 v14, $0xFFF  }
0x11f: {  	v14 =	vnsel vm9, $0xFFF, v14  }
0x120: {  	[tilespmem:$0x9C18] =	vst v14  }
0x121: {  	v14 =	vld.idx.msk [tilespmem:v15+s9+$0x0], $0xffff  }
0x122: {  	v15 =	vld [tilespmem:$0x9B38];
	_ =	sdelay $0x1  }
0x123: {  	s4 =	sadd.s32 $0x1020, s22  }
0x124: {  	v61 =	vor.u32 s4, v1  }
0x125: {  	v14 =	vsub.s32 v61, v14  }
0x126: {  	vm10 =	vlt.s32 v14, $0xFFF  }
0x127: {  	v14 =	vnsel vm10, $0xFFF, v14  }
0x128: {  	[tilespmem:$0x9C28] =	vst v14  }
0x129: {  	v14 =	vld.idx.msk [tilespmem:v15+s9+$0x0], $0xffff;
	_ =	sdelay $0x1  }
0x12a: {  	v15 =	vld [tilespmem:$0x9B48];
	_ =	sdelay $0x1  }
0x12b: {  	s23 =	sadd.s32 $0x1030, s22  }
0x12c: {  	v14 =	vsub.s32 s23, v14  }
0x12d: {  	v14 =	vadd.s32 v1, v14  }
0x12e: {  	vm11 =	vlt.s32 v14, $0xFFF  }
0x12f: {  	v14 =	vnsel vm11, $0xFFF, v14  }
0x130: {  	[tilespmem:$0x9C38] =	vst v14  }
0x131: {  	v14 =	vld.idx.msk [tilespmem:v15+s9+$0x0], $0xffff  }
0x132: {  	v15 =	vld [tilespmem:$0x9B58];
	_ =	sdelay $0x1  }
0x133: {  	s4 =	sadd.s32 $0x1040, s22  }
0x134: {  	v62 =	vor.u32 s4, v1  }
0x135: {  	v14 =	vsub.s32 v62, v14  }
0x136: {  	vm12 =	vlt.s32 v14, $0xFFF  }
0x137: {  	v14 =	vnsel vm12, $0xFFF, v14  }
0x138: {  	[tilespmem:$0x9C48] =	vst v14  }
0x139: {  	v14 =	vld.idx.msk [tilespmem:v15+s9+$0x0], $0xffff;
	_ =	sdelay $0x1  }
0x13a: {  	v15 =	vld [tilespmem:$0x9B68];
	_ =	sdelay $0x1  }
0x13b: {  	s23 =	sadd.s32 $0x1050, s22  }
0x13c: {  	v14 =	vsub.s32 s23, v14  }
0x13d: {  	v14 =	vadd.s32 v1, v14  }
0x13e: {  	vm13 =	vlt.s32 v14, $0xFFF  }
0x13f: {  	v14 =	vnsel vm13, $0xFFF, v14  }
0x140: {  	[tilespmem:$0x9C58] =	vst v14  }
0x141: {  	v14 =	vld.idx.msk [tilespmem:v15+s9+$0x0], $0xffff  }
0x142: {  	v15 =	vld [tilespmem:$0x9B78];
	_ =	sdelay $0x1  }
0x143: {  	s4 =	sadd.s32 $0x1060, s22  }
0x144: {  	v63 =	vor.u32 s4, v1  }
0x145: {  	v14 =	vsub.s32 v63, v14  }
0x146: {  	vm14 =	vlt.s32 v14, $0xFFF  }
0x147: {  	v14 =	vnsel vm14, $0xFFF, v14  }
0x148: {  	[tilespmem:$0x9C68] =	vst v14  }
0x149: {  	v14 =	vld.idx.msk [tilespmem:v15+s9+$0x0], $0xffff;
	_ =	sdelay $0x3  }
0x14a: {  	s23 =	sadd.s32 $0x1070, s22  }
0x14b: {  	v14 =	vsub.s32 s23, v14  }
0x14c: {  	v14 =	vadd.s32 v1, v14  }
0x14d: {  	vm15 =	vlt.s32 v14, $0xFFF  }
0x14e: {  	v14 =	vnsel vm15, $0xFFF, v14  }
0x14f: {  	[tilespmem:$0x9C78] =	vst v14  }
0x150: {  	_ =	swait.ge [sflag:s16], $0x4000  }
0x151: {  	[sflag:s16] =	ssyncset.done $0x0  }
0x152: {  	[sflag:s16] =	ssyncadd.s32 $0xFFFFC000  }
0x153: {  	[tilespmem:s11], [sflag:$0x8] =	stream.indirect.gather.add.f32 [spmem:s2], $0x80, s21, s14, $0xb8;
	[tilespmem:$0x19C88] =	vst v63  }
.LBB2_9:
0x154: {  	s6 =	sadd.s32 $0x1, s26  }
0x155: {  	p4 =	sge.u32 s6, s7  }
0x156: {  	s6 =	simm.s32 @!p4 $0x8  }
0x157: {  	_ =	swait.ge @!p4 [sflag:s6], $0x4000  }
0x158: {  	[sflag:s6] =	ssyncset.done @!p4 $0x0  }
0x159: {  	[sflag:s6] =	ssyncadd.s32 @!p4 $0xFFFFC000;
	s6 =	sadd.s32 @!p4 s19, s24  }
0x15a: {  	s23 =	simm.s32 @!p4 $0x0;
	s4 =	simm.s32 @!p4 $0xDC88;
	s6 =	sadd.s32 @!p4 $0x10000, s6  }
0x15b: {  	[hbm4b:s6+s23] =	stream.linear.scatter @!p4 [tilespmem:s4], [sflag:$0xC], $0x4000, $0x38;
	[tilespmem:$0x19C88] =	vst v63  }
0x15c: {  	s4 =	sadd.s32 @!p4 $0x3, s26  }
0x15d: {  	p3 =	sge.u32 @!p4 s4, s7  }
0x15e: {  	p5 =	por p3, p4  }
0x15f: {  	p6 =	seq.s32 @!p5 s20, $0x0  }
0x160: {  	p3 =	por @!p4 p6, p3  }
0x161: {  	p3 =	por p3, p4  }
0x162: {  	s4 =	simm.s32 @!p3 $0xE  }
0x163: {  	_ =	swait.ge @!p3 [sflag:s4], $0x4000  }
0x164: {  	[sflag:s4] =	ssyncset.done @!p3 $0x0  }
0x165: {  	s6 =	simm.s32 @!p5 $0x9B08;
	[sflag:s4] =	ssyncadd.s32 @!p3 $0xFFFFC000;
	s4 =	simm.s32 @!p5 $0x0  }
0x166: {  	[tilespmem:s6], [sflag:$0x2] =	stream.linear.gather @!p5 [hbm4b:s3+s4], $0x80, $0x38;
	[tilespmem:$0x19C88] =	vst v63  }
0x167: {  	s6 =	sadd.s32 @!p5 s5, s24  }
0x168: {  	s23 =	simm.s32 @!p5 $0x15C88;
	s6 =	sadd.s32 @!p5 $0x30000, s6  }
0x169: {  	[tilespmem:s23], [sflag:$0x6] =	stream.linear.gather @!p5 [hbm4b:s6+s4], $0x4000, $0x38;
	[tilespmem:$0x19C88] =	vst v63  }
0x16a: {  	s4 =	sadd.s32 @!p4 $0x2, s26  }
0x16b: {  	p3 =	sge.u32 @!p4 s4, s7  }
0x16c: {  	p3 =	por p4, p3  }
.Ltmp8:
0x16d: {  	_ = 	snop;
	(pc) =	sbr.rel @p3 .LBB2_11-.Ltmp8, $1  }
0x16e: {  	_ =	sdelay $0x3  }
0x16f: {  	_ =	swait.ge [sflag:s12], $0x80  }
0x170: {  	[sflag:s12] =	ssyncset.done $0x0  }
0x171: {  	[sflag:s12] =	ssyncadd.s32 $0xFFFFFF80  }
0x172: {  	v14 =	vld [tilespmem:$0x9A88];
	_ =	sdelay $0x7  }
0x173: {  	v14 =	vld.idx.msk [tilespmem:v14+s9+$0x0], $0xffff  }
0x174: {  	v15 =	vld [tilespmem:$0x9A98];
	_ =	sdelay $0x1  }
0x175: {  	s4 =	sadd.s32 $0x2000, s22  }
0x176: {  	v16 =	vor.u32 s4, v1  }
0x177: {  	v14 =	vsub.s32 v16, v14  }
0x178: {  	vm0 =	vlt.s32 v14, $0xFFF  }
0x179: {  	v14 =	vnsel vm0, $0xFFF, v14  }
0x17a: {  	[tilespmem:$0x9B88] =	vst v14  }
0x17b: {  	v14 =	vld.idx.msk [tilespmem:v15+s9+$0x0], $0xffff;
	_ =	sdelay $0x1  }
0x17c: {  	v15 =	vld [tilespmem:$0x9AA8];
	_ =	sdelay $0x1  }
0x17d: {  	s23 =	sadd.s32 $0x2010, s22  }
0x17e: {  	v14 =	vsub.s32 s23, v14  }
0x17f: {  	v14 =	vadd.s32 v1, v14  }
0x180: {  	vm9 =	vlt.s32 v14, $0xFFF  }
0x181: {  	v14 =	vnsel vm9, $0xFFF, v14  }
0x182: {  	[tilespmem:$0x9B98] =	vst v14  }
0x183: {  	v14 =	vld.idx.msk [tilespmem:v15+s9+$0x0], $0xffff  }
0x184: {  	v15 =	vld [tilespmem:$0x9AB8];
	_ =	sdelay $0x1  }
0x185: {  	s6 =	sadd.s32 $0x2020, s22  }
0x186: {  	v61 =	vor.u32 s6, v1  }
0x187: {  	v14 =	vsub.s32 v61, v14  }
0x188: {  	vm10 =	vlt.s32 v14, $0xFFF  }
0x189: {  	v14 =	vnsel vm10, $0xFFF, v14  }
0x18a: {  	[tilespmem:$0x9BA8] =	vst v14  }
0x18b: {  	v14 =	vld.idx.msk [tilespmem:v15+s9+$0x0], $0xffff;
	_ =	sdelay $0x1  }
0x18c: {  	v15 =	vld [tilespmem:$0x9AC8];
	_ =	sdelay $0x1  }
0x18d: {  	s23 =	sadd.s32 $0x2030, s22  }
0x18e: {  	v14 =	vsub.s32 s23, v14  }
0x18f: {  	v14 =	vadd.s32 v1, v14  }
0x190: {  	vm11 =	vlt.s32 v14, $0xFFF  }
0x191: {  	v14 =	vnsel vm11, $0xFFF, v14  }
0x192: {  	[tilespmem:$0x9BB8] =	vst v14  }
0x193: {  	v14 =	vld.idx.msk [tilespmem:v15+s9+$0x0], $0xffff  }
0x194: {  	v15 =	vld [tilespmem:$0x9AD8];
	_ =	sdelay $0x1  }
0x195: {  	s6 =	sadd.s32 $0x2040, s22  }
0x196: {  	v62 =	vor.u32 s6, v1  }
0x197: {  	v14 =	vsub.s32 v62, v14  }
0x198: {  	vm12 =	vlt.s32 v14, $0xFFF  }
0x199: {  	v14 =	vnsel vm12, $0xFFF, v14  }
0x19a: {  	[tilespmem:$0x9BC8] =	vst v14  }
0x19b: {  	v14 =	vld.idx.msk [tilespmem:v15+s9+$0x0], $0xffff;
	_ =	sdelay $0x1  }
0x19c: {  	v15 =	vld [tilespmem:$0x9AE8];
	_ =	sdelay $0x1  }
0x19d: {  	s23 =	sadd.s32 $0x2050, s22  }
0x19e: {  	v14 =	vsub.s32 s23, v14  }
0x19f: {  	v14 =	vadd.s32 v1, v14  }
0x1a0: {  	vm13 =	vlt.s32 v14, $0xFFF  }
0x1a1: {  	v14 =	vnsel vm13, $0xFFF, v14  }
0x1a2: {  	[tilespmem:$0x9BD8] =	vst v14  }
0x1a3: {  	v14 =	vld.idx.msk [tilespmem:v15+s9+$0x0], $0xffff  }
0x1a4: {  	v15 =	vld [tilespmem:$0x9AF8];
	_ =	sdelay $0x1  }
0x1a5: {  	s6 =	sadd.s32 $0x2060, s22  }
0x1a6: {  	v63 =	vor.u32 s6, v1  }
0x1a7: {  	v14 =	vsub.s32 v63, v14  }
0x1a8: {  	vm14 =	vlt.s32 v14, $0xFFF  }
0x1a9: {  	v14 =	vnsel vm14, $0xFFF, v14  }
0x1aa: {  	[tilespmem:$0x9BE8] =	vst v14  }
0x1ab: {  	v14 =	vld.idx.msk [tilespmem:v15+s9+$0x0], $0xffff;
	_ =	sdelay $0x3  }
0x1ac: {  	s23 =	sadd.s32 $0x2070, s22  }
0x1ad: {  	v14 =	vsub.s32 s23, v14  }
0x1ae: {  	v14 =	vadd.s32 v1, v14  }
0x1af: {  	vm15 =	vlt.s32 v14, $0xFFF  }
0x1b0: {  	v14 =	vnsel vm15, $0xFFF, v14  }
0x1b1: {  	[tilespmem:$0x9BF8] =	vst v14  }
0x1b2: {  	_ =	swait.ge [sflag:s29], $0x4000  }
0x1b3: {  	[sflag:s29] =	ssyncset.done $0x0  }
0x1b4: {  	[sflag:s29] =	ssyncadd.s32 $0xFFFFC000  }
0x1b5: {  	[tilespmem:s30], [sflag:$0x9] =	stream.indirect.gather.add.f32 [spmem:s2], $0x80, s17, s14, $0xb8;
	[tilespmem:$0x19C88] =	vst v63  }
.LBB2_11:
0x1b6: {  	s4 =	sadd.s32 $0x2, s26  }
0x1b7: {  	p4 =	sge.u32 s4, s7  }
0x1b8: {  	s4 =	simm.s32 @!p4 $0x9  }
0x1b9: {  	_ =	swait.ge @!p4 [sflag:s4], $0x4000  }
0x1ba: {  	[sflag:s4] =	ssyncset.done @!p4 $0x0  }
0x1bb: {  	[sflag:s4] =	ssyncadd.s32 @!p4 $0xFFFFC000;
	s4 =	sadd.s32 @!p4 s19, s24  }
0x1bc: {  	s6 =	simm.s32 @!p4 $0x0;
	s23 =	simm.s32 @!p4 $0x11C88;
	s4 =	sadd.s32 @!p4 $0x20000, s4  }
0x1bd: {  	[hbm4b:s4+s6] =	stream.linear.scatter @!p4 [tilespmem:s23], [sflag:$0xD], $0x4000, $0x38;
	[tilespmem:$0x19C88] =	vst v63  }
0x1be: {  	s4 =	sadd.s32 @!p4 $0x4, s26  }
0x1bf: {  	p3 =	sge.u32 @!p4 s4, s7  }
0x1c0: {  	p5 =	por p3, p4  }
0x1c1: {  	s4 =	simm.s32 @!p5 $0xB  }
0x1c2: {  	s6 =	sadd.s32 @!p5 s20, s18;
	_ =	swait.ge @!p5 [sflag:s4], $0x4000  }
0x1c3: {  	s6 =	sadd.s32 @!p5 $0x4000, s6;
	[sflag:s4] =	ssyncset.done @!p5 $0x0  }
0x1c4: {  	[sflag:s4] =	ssyncadd.s32 @!p5 $0xFFFFC000;
	s4 =	sshrl.u32 @!p5 s6, $0x3  }
0x1c5: {  	s23 =	simm.s32 @!p5 $0x9A88;
	s6 =	simm.s32 @!p5 $0x0;
	s4 =	sadd.s32 @!p5 s0, s4  }
0x1c6: {  	[tilespmem:s23], [sflag:$0x1] =	stream.linear.gather @!p5 [hbm4b:s4+s6], $0x80, $0x38;
	[tilespmem:$0x19C88] =	vst v63  }
0x1c7: {  	s4 =	sadd.s32 @!p5 s5, s24  }
0x1c8: {  	s23 =	simm.s32 @!p5 $0x9C88;
	s4 =	sadd.s32 @!p5 $0x40000, s4  }
0x1c9: {  	[tilespmem:s23], [sflag:$0x3] =	stream.linear.gather @!p5 [hbm4b:s4+s6], $0x4000, $0x38;
	[tilespmem:$0x19C88] =	vst v63  }
0x1ca: {  	s4 =	sadd.s32 @!p4 $0x3, s26  }
0x1cb: {  	p3 =	sge.u32 @!p4 s4, s7  }
0x1cc: {  	p3 =	por p4, p3  }
.Ltmp9:
0x1cd: {  	_ = 	snop;
	(pc) =	sbr.rel @p3 .LBB2_13-.Ltmp9, $1  }
0x1ce: {  	_ =	sdelay $0x3  }
0x1cf: {  	_ =	swait.ge [sflag:s15], $0x80  }
0x1d0: {  	[sflag:s15] =	ssyncset.done $0x0  }
0x1d1: {  	[sflag:s15] =	ssyncadd.s32 $0xFFFFFF80  }
0x1d2: {  	v14 =	vld [tilespmem:$0x9B08];
	_ =	sdelay $0x7  }
0x1d3: {  	v14 =	vld.idx.msk [tilespmem:v14+s9+$0x0], $0xffff  }
0x1d4: {  	v15 =	vld [tilespmem:$0x9B18];
	_ =	sdelay $0x1  }
0x1d5: {  	s4 =	sadd.s32 $0x3000, s22  }
0x1d6: {  	v16 =	vor.u32 s4, v1  }
0x1d7: {  	v14 =	vsub.s32 v16, v14  }
0x1d8: {  	vm0 =	vlt.s32 v14, $0xFFF  }
0x1d9: {  	v14 =	vnsel vm0, $0xFFF, v14  }
0x1da: {  	[tilespmem:$0x9C08] =	vst v14  }
0x1db: {  	v14 =	vld.idx.msk [tilespmem:v15+s9+$0x0], $0xffff;
	_ =	sdelay $0x1  }
0x1dc: {  	v15 =	vld [tilespmem:$0x9B28];
	_ =	sdelay $0x1  }
0x1dd: {  	s23 =	sadd.s32 $0x3010, s22  }
0x1de: {  	v14 =	vsub.s32 s23, v14  }
0x1df: {  	v14 =	vadd.s32 v1, v14  }
0x1e0: {  	vm9 =	vlt.s32 v14, $0xFFF  }
0x1e1: {  	v14 =	vnsel vm9, $0xFFF, v14  }
0x1e2: {  	[tilespmem:$0x9C18] =	vst v14  }
0x1e3: {  	v14 =	vld.idx.msk [tilespmem:v15+s9+$0x0], $0xffff  }
0x1e4: {  	v15 =	vld [tilespmem:$0x9B38];
	_ =	sdelay $0x1  }
0x1e5: {  	s6 =	sadd.s32 $0x3020, s22  }
0x1e6: {  	v61 =	vor.u32 s6, v1  }
0x1e7: {  	v14 =	vsub.s32 v61, v14  }
0x1e8: {  	vm10 =	vlt.s32 v14, $0xFFF  }
0x1e9: {  	v14 =	vnsel vm10, $0xFFF, v14  }
0x1ea: {  	[tilespmem:$0x9C28] =	vst v14  }
0x1eb: {  	v14 =	vld.idx.msk [tilespmem:v15+s9+$0x0], $0xffff;
	_ =	sdelay $0x1  }
0x1ec: {  	v15 =	vld [tilespmem:$0x9B48];
	_ =	sdelay $0x1  }
0x1ed: {  	s23 =	sadd.s32 $0x3030, s22  }
0x1ee: {  	v14 =	vsub.s32 s23, v14  }
0x1ef: {  	v14 =	vadd.s32 v1, v14  }
0x1f0: {  	vm11 =	vlt.s32 v14, $0xFFF  }
0x1f1: {  	v14 =	vnsel vm11, $0xFFF, v14  }
0x1f2: {  	[tilespmem:$0x9C38] =	vst v14  }
0x1f3: {  	v14 =	vld.idx.msk [tilespmem:v15+s9+$0x0], $0xffff  }
0x1f4: {  	v15 =	vld [tilespmem:$0x9B58];
	_ =	sdelay $0x1  }
0x1f5: {  	s6 =	sadd.s32 $0x3040, s22  }
0x1f6: {  	v62 =	vor.u32 s6, v1  }
0x1f7: {  	v14 =	vsub.s32 v62, v14  }
0x1f8: {  	vm12 =	vlt.s32 v14, $0xFFF  }
0x1f9: {  	v14 =	vnsel vm12, $0xFFF, v14  }
0x1fa: {  	[tilespmem:$0x9C48] =	vst v14  }
0x1fb: {  	v14 =	vld.idx.msk [tilespmem:v15+s9+$0x0], $0xffff;
	_ =	sdelay $0x1  }
0x1fc: {  	v15 =	vld [tilespmem:$0x9B68];
	_ =	sdelay $0x1  }
0x1fd: {  	s23 =	sadd.s32 $0x3050, s22  }
0x1fe: {  	v14 =	vsub.s32 s23, v14  }
0x1ff: {  	v14 =	vadd.s32 v1, v14  }
0x200: {  	vm13 =	vlt.s32 v14, $0xFFF  }
0x201: {  	v14 =	vnsel vm13, $0xFFF, v14  }
0x202: {  	[tilespmem:$0x9C58] =	vst v14  }
0x203: {  	v14 =	vld.idx.msk [tilespmem:v15+s9+$0x0], $0xffff  }
0x204: {  	v15 =	vld [tilespmem:$0x9B78];
	_ =	sdelay $0x1  }
0x205: {  	s6 =	sadd.s32 $0x3060, s22  }
0x206: {  	v63 =	vor.u32 s6, v1  }
0x207: {  	v14 =	vsub.s32 v63, v14  }
0x208: {  	vm14 =	vlt.s32 v14, $0xFFF  }
0x209: {  	v14 =	vnsel vm14, $0xFFF, v14  }
0x20a: {  	[tilespmem:$0x9C68] =	vst v14  }
0x20b: {  	v14 =	vld.idx.msk [tilespmem:v15+s9+$0x0], $0xffff;
	_ =	sdelay $0x3  }
0x20c: {  	s23 =	sadd.s32 $0x3070, s22  }
0x20d: {  	v14 =	vsub.s32 s23, v14  }
0x20e: {  	v14 =	vadd.s32 v1, v14  }
0x20f: {  	vm15 =	vlt.s32 v14, $0xFFF  }
0x210: {  	v14 =	vnsel vm15, $0xFFF, v14  }
0x211: {  	[tilespmem:$0x9C78] =	vst v14  }
0x212: {  	_ =	swait.ge [sflag:s31], $0x4000  }
0x213: {  	[sflag:s31] =	ssyncset.done $0x0  }
0x214: {  	[sflag:s31] =	ssyncadd.s32 $0xFFFFC000  }
0x215: {  	[tilespmem:s25], [sflag:$0xA] =	stream.indirect.gather.add.f32 [spmem:s2], $0x80, s21, s14, $0xb8;
	[tilespmem:$0x19C88] =	vst v63  }
.LBB2_13:
0x216: {  	s4 =	sadd.s32 $0x3, s26  }
0x217: {  	p4 =	sge.u32 s4, s7  }
0x218: {  	s4 =	simm.s32 @!p4 $0xA  }
0x219: {  	_ =	swait.ge @!p4 [sflag:s4], $0x4000  }
0x21a: {  	[sflag:s4] =	ssyncset.done @!p4 $0x0  }
0x21b: {  	[sflag:s4] =	ssyncadd.s32 @!p4 $0xFFFFC000;
	s4 =	sadd.s32 @!p4 s19, s24  }
0x21c: {  	s6 =	simm.s32 @!p4 $0x0;
	s23 =	simm.s32 @!p4 $0x15C88;
	s4 =	sadd.s32 @!p4 $0x30000, s4  }
0x21d: {  	[hbm4b:s4+s6] =	stream.linear.scatter @!p4 [tilespmem:s23], [sflag:$0xE], $0x4000, $0x38;
	[tilespmem:$0x19C88] =	vst v63  }
0x21e: {  	s4 =	sadd.s32 @!p4 $0x5, s26  }
0x21f: {  	p3 =	sge.u32 @!p4 s4, s7  }
0x220: {  	p3 =	por p3, p4  }
0x221: {  	s4 =	simm.s32 @!p3 $0xC  }
0x222: {  	_ =	swait.ge @!p3 [sflag:s4], $0x4000  }
0x223: {  	[sflag:s4] =	ssyncset.done @!p3 $0x0  }
0x224: {  	s6 =	simm.s32 @!p3 $0x9B08;
	[sflag:s4] =	ssyncadd.s32 @!p3 $0xFFFFC000;
	s4 =	simm.s32 @!p3 $0x0  }
0x225: {  	[tilespmem:s6], [sflag:$0x2] =	stream.linear.gather @!p3 [hbm4b:s28+s4], $0x80, $0x38;
	[tilespmem:$0x19C88] =	vst v63  }
0x226: {  	s6 =	sadd.s32 @!p3 s5, s24  }
0x227: {  	s23 =	simm.s32 @!p3 $0xDC88;
	s6 =	sadd.s32 @!p3 $0x50000, s6  }
0x228: {  	[tilespmem:s23], [sflag:$0x4] =	stream.linear.gather @!p3 [hbm4b:s6+s4], $0x4000, $0x38;
	[tilespmem:$0x19C88] =	vst v63  }
0x229: {  	s4 =	sadd.s32 @!p4 $0x4, s26  }
0x22a: {  	p3 =	sge.u32 @!p4 s4, s7  }
0x22b: {  	p3 =	por p4, p3  }
.Ltmp10:
0x22c: {  	_ = 	snop;
	(pc) =	sbr.rel @p3 .LBB2_15-.Ltmp10, $1  }
0x22d: {  	_ =	sdelay $0x3  }
0x22e: {  	_ =	swait.ge [sflag:s12], $0x80  }
0x22f: {  	[sflag:s12] =	ssyncset.done $0x0  }
0x230: {  	[sflag:s12] =	ssyncadd.s32 $0xFFFFFF80  }
0x231: {  	v14 =	vld [tilespmem:$0x9A88];
	_ =	sdelay $0x7  }
0x232: {  	v14 =	vld.idx.msk [tilespmem:v14+s9+$0x0], $0xffff  }
0x233: {  	v15 =	vld [tilespmem:$0x9A98];
	_ =	sdelay $0x1  }
0x234: {  	s4 =	sadd.s32 $0x4000, s22  }
0x235: {  	v16 =	vor.u32 s4, v1  }
0x236: {  	v14 =	vsub.s32 v16, v14  }
0x237: {  	vm0 =	vlt.s32 v14, $0xFFF  }
0x238: {  	v14 =	vnsel vm0, $0xFFF, v14  }
0x239: {  	[tilespmem:$0x9B88] =	vst v14  }
0x23a: {  	v14 =	vld.idx.msk [tilespmem:v15+s9+$0x0], $0xffff;
	_ =	sdelay $0x1  }
0x23b: {  	v15 =	vld [tilespmem:$0x9AA8];
	_ =	sdelay $0x1  }
0x23c: {  	s23 =	sadd.s32 $0x4010, s22  }
0x23d: {  	v14 =	vsub.s32 s23, v14  }
0x23e: {  	v14 =	vadd.s32 v1, v14  }
0x23f: {  	vm9 =	vlt.s32 v14, $0xFFF  }
0x240: {  	v14 =	vnsel vm9, $0xFFF, v14  }
0x241: {  	[tilespmem:$0x9B98] =	vst v14  }
0x242: {  	v14 =	vld.idx.msk [tilespmem:v15+s9+$0x0], $0xffff  }
0x243: {  	v15 =	vld [tilespmem:$0x9AB8];
	_ =	sdelay $0x1  }
0x244: {  	s6 =	sadd.s32 $0x4020, s22  }
0x245: {  	v61 =	vor.u32 s6, v1  }
0x246: {  	v14 =	vsub.s32 v61, v14  }
0x247: {  	vm10 =	vlt.s32 v14, $0xFFF  }
0x248: {  	v14 =	vnsel vm10, $0xFFF, v14  }
0x249: {  	[tilespmem:$0x9BA8] =	vst v14  }
0x24a: {  	v14 =	vld.idx.msk [tilespmem:v15+s9+$0x0], $0xffff;
	_ =	sdelay $0x1  }
0x24b: {  	v15 =	vld [tilespmem:$0x9AC8];
	_ =	sdelay $0x1  }
0x24c: {  	s23 =	sadd.s32 $0x4030, s22  }
0x24d: {  	v14 =	vsub.s32 s23, v14  }
0x24e: {  	v14 =	vadd.s32 v1, v14  }
0x24f: {  	vm11 =	vlt.s32 v14, $0xFFF  }
0x250: {  	v14 =	vnsel vm11, $0xFFF, v14  }
0x251: {  	[tilespmem:$0x9BB8] =	vst v14  }
0x252: {  	v14 =	vld.idx.msk [tilespmem:v15+s9+$0x0], $0xffff  }
0x253: {  	v15 =	vld [tilespmem:$0x9AD8];
	_ =	sdelay $0x1  }
0x254: {  	s6 =	sadd.s32 $0x4040, s22  }
0x255: {  	v62 =	vor.u32 s6, v1  }
0x256: {  	v14 =	vsub.s32 v62, v14  }
0x257: {  	vm12 =	vlt.s32 v14, $0xFFF  }
0x258: {  	v14 =	vnsel vm12, $0xFFF, v14  }
0x259: {  	[tilespmem:$0x9BC8] =	vst v14  }
0x25a: {  	v14 =	vld.idx.msk [tilespmem:v15+s9+$0x0], $0xffff;
	_ =	sdelay $0x1  }
0x25b: {  	v15 =	vld [tilespmem:$0x9AE8];
	_ =	sdelay $0x1  }
0x25c: {  	s23 =	sadd.s32 $0x4050, s22  }
0x25d: {  	v14 =	vsub.s32 s23, v14  }
0x25e: {  	v14 =	vadd.s32 v1, v14  }
0x25f: {  	vm13 =	vlt.s32 v14, $0xFFF  }
0x260: {  	v14 =	vnsel vm13, $0xFFF, v14  }
0x261: {  	[tilespmem:$0x9BD8] =	vst v14  }
0x262: {  	v14 =	vld.idx.msk [tilespmem:v15+s9+$0x0], $0xffff  }
0x263: {  	v15 =	vld [tilespmem:$0x9AF8];
	_ =	sdelay $0x1  }
0x264: {  	s6 =	sadd.s32 $0x4060, s22  }
0x265: {  	v63 =	vor.u32 s6, v1  }
0x266: {  	v14 =	vsub.s32 v63, v14  }
0x267: {  	vm14 =	vlt.s32 v14, $0xFFF  }
0x268: {  	v14 =	vnsel vm14, $0xFFF, v14  }
0x269: {  	[tilespmem:$0x9BE8] =	vst v14  }
0x26a: {  	v14 =	vld.idx.msk [tilespmem:v15+s9+$0x0], $0xffff;
	_ =	sdelay $0x3  }
0x26b: {  	s23 =	sadd.s32 $0x4070, s22  }
0x26c: {  	v14 =	vsub.s32 s23, v14  }
0x26d: {  	v14 =	vadd.s32 v1, v14  }
0x26e: {  	vm15 =	vlt.s32 v14, $0xFFF  }
0x26f: {  	v14 =	vnsel vm15, $0xFFF, v14  }
.Ltmp11:
0x270: {  	[tilespmem:$0x9BF8] =	vst v14;
	(pc) =	sbr.rel .LBB2_15-.Ltmp11, $4  }
0x271: {  	_ =	swait.ge [sflag:s13], $0x4000  }
0x272: {  	[sflag:s13] =	ssyncset.done $0x0  }
0x273: {  	[sflag:s13] =	ssyncadd.s32 $0xFFFFC000  }
0x274: {  	[tilespmem:s10], [sflag:$0x7] =	stream.indirect.gather.add.f32 [spmem:s2], $0x80, s17, s14, $0xb8;
	[tilespmem:$0x19C88] =	vst v63  }
.LBB2_2:
.Ltmp12:
0x275: {  	(pc) =	sbr.rel .LBB2_6-.Ltmp12, $2  }
0x276: {  	_ =	sdelay $0x2  }
0x277: {  	s5 =	smov.u32 s20  }
.LBB2_4:
.Ltmp13:
0x278: {  	(pc) =	sbr.rel .LBB2_6-.Ltmp13, $2  }
0x279: {  	_ =	sdelay $0x2  }
0x27a: {  	s5 =	smov.u32 s20  }
.LBB2_17:
0x27b: {  	_ =	sfence.sel $0x180000  }
0x27c: {  	[bflag:$0x0] =	sbarrier.arrive $0xFFFF  }
0x27d: {  	_ =	strace $0x90000047  }
0x27e: {  	[bflag:$0x2] =	sbarrier.arrive $0xFFFF  }
0x27f: {  	s0 =	rddreg [dreg:$0x6]  }
0x280: {  	s0 =	sadd.s32 @!p0 $0x100000, s0  }
0x281: {  	[sflag:s0] =	ssyncadd.tile.s32 @!p0 $0x1;
	_ =	shalt  }
.Lfunc_end2:
_tile_overlayer_lowered:
.L_overlay_start_2:
0x282: {  	(tag) =	ssettag $0x2  }
0x283: {  	s0 =	rddreg [dreg:$0x0];
	s2 =	stileid.u32  }
0x284: {  	s1 =	rddreg [dreg:$0x1];
	p0 =	sne.s32 s2, $0x0  }
0x285: {  	s3 =	rddreg [dreg:$0x2];
	[bflag:$0x3] =	sbarrier.arrive $0xFFFF;
	s2 =	simm.s32 @!p0 $0x1C10  }
0x286: {  	[timem:s3], [sflag:s2] =	dma.local @!p0 [hbm:s0], s1  }
0x287: {  	s0 =	simm.s32 @!p0 $0x10  }
0x288: {  	_ =	swait.ge @!p0 [sflag:s0], s1  }
0x289: {  	s1 =	ssub.s32 @!p0 $0x0, s1;
	[sflag:s0] =	ssyncset.done @!p0 $0x0  }
0x28a: {  	[sflag:s0] =	ssyncadd.s32 @!p0 s1  }
0x28b: {  	[bflag:$0x3] =	sbarrier.arrive $0xFFFF  }
0x28c: {  	_ =	shalt  }

</sc_bundles>
